<compile_context>
chip_gen: v7x
topology: tpu7x:2x2x1
jax: 0.10.2.dev20260603
libtpu: 0.0.44.dev20260713+nightly
codegen_flags: <defaults>
</compile_context>

<pallas_src>
import dataclasses
import functools

import jax
import jax.numpy as jnp
from jax import lax
from jax.experimental import pallas as pl
from jax.experimental.pallas import tpu as pltpu
from jax.experimental.pallas import tpu_sc as plsc

NUM_CLASSES = 256
FEAT = 512
Q_BLOCK = 4096

SC_CORES = 2
SC_SUBCORES = 16
SC_TILES = SC_CORES * SC_SUBCORES
LANES = 16
CHUNK = 64
CLS_PER_TILE = NUM_CLASSES // SC_TILES
FEAT_CHUNKS = FEAT // LANES


def _lbl(labels_v, i):
    return labels_v[pl.ds(i, LANES)][0]


def _bsearch_ge(labels_v, target, n):
    pos = jnp.int32(0)
    step = n
    while step > 1:
        step //= 2
        nxt = pos + step
        pos = jnp.where(_lbl(labels_v, nxt - 1) < target, nxt, pos)
    nxt = pos + 1
    pos = jnp.where(_lbl(labels_v, pos) < target, nxt, pos)
    return pos


def _sc_segment_sum(n_rows):
    mesh = plsc.VectorSubcoreMesh(core_axis_name="c", subcore_axis_name="s")
    cp = pltpu.CompilerParams()
    if "needs_layout_passes" in pltpu.CompilerParams.__dataclass_fields__:
        cp = dataclasses.replace(cp, needs_layout_passes=False)

    @functools.partial(
        pl.kernel,
        mesh=mesh,
        compiler_params=cp,
        out_type=(
            jax.ShapeDtypeStruct((NUM_CLASSES, FEAT), jnp.float32),
            jax.ShapeDtypeStruct((NUM_CLASSES, LANES), jnp.float32),
        ),
        scratch_types=[
            pltpu.VMEM((n_rows + LANES,), jnp.int32),
            pltpu.VMEM((CHUNK, FEAT), jnp.float32),
            pltpu.VMEM((CLS_PER_TILE, FEAT), jnp.float32),
            pltpu.VMEM((CLS_PER_TILE, LANES), jnp.float32),
        ],
    )
    def sc_kernel(sup_hbm, labels_hbm, sums_hbm, cnts_hbm,
                  labels_v, rows_v, acc_v, cnt_v):
        cid = lax.axis_index("c")
        sid = lax.axis_index("s")
        wid = cid * SC_SUBCORES + sid
        cls0 = wid * CLS_PER_TILE

        pltpu.sync_copy(labels_hbm, labels_v.at[pl.ds(0, n_rows)])

        col_iota = lax.iota(jnp.int32, LANES)
        cols = [col_iota + c * LANES for c in range(FEAT_CHUNKS)]
        zero_acc = tuple(jnp.zeros((LANES,), jnp.float32)
                         for _ in range(FEAT_CHUNKS))

        def class_body(cc, _):
            lo = _bsearch_ge(labels_v, cls0 + cc, n_rows)
            hi = _bsearch_ge(labels_v, cls0 + cc + 1, n_rows)
            alo = (lo // 8) * 8
            n_ch = lax.div(hi - alo + (CHUNK - 1), CHUNK)

            def chunk_body(j, accs):
                start = alo + j * CHUNK
                start_eff = jnp.minimum(start, n_rows - CHUNK)
                pltpu.sync_copy(sup_hbm.at[pl.ds(start_eff, CHUNK)], rows_v)

                def row_body(k, accs):
                    r = start_eff + k
                    cond = jnp.logical_and(
                        jnp.logical_and(r >= start, r >= lo), r < hi)
                    k_idx = jnp.full((LANES,), k, jnp.int32)
                    out = []
                    for c in range(FEAT_CHUNKS):
                        data = plsc.load_gather(rows_v, [k_idx, cols[c]])
                        data = jnp.where(cond, data, 0.0)
                        out.append(accs[c] + data)
                    return tuple(out)

                return lax.fori_loop(0, 1, row_body, accs)

            accs = lax.fori_loop(0, n_ch, chunk_body, zero_acc)
            cc_idx = jnp.full((LANES,), cc, jnp.int32)
            for c in range(FEAT_CHUNKS):
                plsc.store_scatter(acc_v, [cc_idx, cols[c]], accs[c])
            cntv = jnp.full((LANES,), 1.0, jnp.float32) * (hi - lo).astype(
                jnp.float32)
            plsc.store_scatter(cnt_v, [cc_idx, col_iota], cntv)
            return 0

        lax.fori_loop(0, CLS_PER_TILE, class_body, 0)

        pltpu.sync_copy(acc_v, sums_hbm.at[pl.ds(cls0, CLS_PER_TILE)])
        pltpu.sync_copy(cnt_v, cnts_hbm.at[pl.ds(cls0, CLS_PER_TILE)])

    return sc_kernel


def _dist_kernel(sums_ref, cnts_ref, q_ref, out_ref, ptT_ref, p2_ref):
    i = pl.program_id(0)

    @pl.when(i == 0)
    def _finalize_protos():
        cnt = cnts_ref[:, :1]
        protos = sums_ref[...] / jnp.maximum(cnt, 1.0)
        ptT = protos.T
        p2_ref[...] = jnp.sum(ptT * ptT, axis=0, keepdims=True)
        ptT_ref[...] = ptT.astype(jnp.bfloat16)

    qb = q_ref[...]
    q2 = jnp.sum(qb * qb, axis=1, keepdims=True)
    cross = jax.lax.dot_general(
        qb.astype(jnp.bfloat16), ptT_ref[...],
        dimension_numbers=(((1,), (0,)), ((), ())),
        preferred_element_type=jnp.float32)
    d2 = (q2 + p2_ref[...]) - 2.0 * cross
    out_ref[...] = -jnp.sqrt(jnp.maximum(d2, 0.0))


@jax.jit
def kernel(support_features, support_labels, query_features):
    n_sup = support_features.shape[0]
    n_q = query_features.shape[0]
    labels_i32 = support_labels.astype(jnp.int32)

    sums, cnts = _sc_segment_sum(n_sup)(support_features, labels_i32)

    out = pl.pallas_call(
        _dist_kernel,
        grid=(n_q // Q_BLOCK,),
        in_specs=[
            pl.BlockSpec((NUM_CLASSES, FEAT), lambda i: (0, 0)),
            pl.BlockSpec((NUM_CLASSES, LANES), lambda i: (0, 0)),
            pl.BlockSpec((Q_BLOCK, FEAT), lambda i: (i, 0)),
        ],
        out_specs=pl.BlockSpec((Q_BLOCK, NUM_CLASSES), lambda i: (i, 0)),
        out_shape=jax.ShapeDtypeStruct((n_q, NUM_CLASSES), jnp.float32),
        scratch_shapes=[
            pltpu.VMEM((FEAT, NUM_CLASSES), jnp.bfloat16),
            pltpu.VMEM((1, NUM_CLASSES), jnp.float32),
        ],
    )(sums, cnts, query_features)
    return out

# --- scband reference (transcript-rebuilt; emitter-appended) ---
"""Pipeline reference for scband-prototypical-network-9414568313189 (READ-ONLY COPY).

The authoritative reference and input builder live on the scoring server;
editing this copy changes nothing except your own understanding.
"""

import jax, jax.numpy as jnp
import numpy as np

NUM_CLASSES = 256

def setup_inputs(seed: int = 0) -> dict:
    key = jax.random.key(seed)
    k1, k2, k3 = jax.random.split(key, 3)
    support_features = jax.random.normal(k1, (16384, 512), dtype=jnp.float32)
    support_labels = jnp.sort(jax.random.randint(k2, (16384,), 0, NUM_CLASSES))
    query_features = jax.random.normal(k3, (16384, 512), dtype=jnp.float32)
    return {
        "support_features": support_features,
        "support_labels": support_labels,
        "query_features": query_features,
    }

def reference(support_features, support_labels, query_features):
    # Class prototypes = per-class mean of support features (segment reduce).
    # Assumes labels densely cover [0, NUM_CLASSES), which holds w.h.p. for
    # 16384 uniform draws over 256 classes (matches torch.unique over sorted labels).
    sums = jax.ops.segment_sum(support_features, support_labels, num_segments=NUM_CLASSES)
    counts = jax.ops.segment_sum(
        jnp.ones((support_features.shape[0],), dtype=support_features.dtype),
        support_labels,
        num_segments=NUM_CLASSES,
    )
    prototypes = sums / jnp.maximum(counts, 1.0)[:, None]
    # Euclidean cdist via the Gram-matrix identity (avoids a [Q, C, d] broadcast).
    q2 = jnp.sum(query_features * query_features, axis=1, keepdims=True)
    p2 = jnp.sum(prototypes * prototypes, axis=1)[None, :]
    d2 = q2 + p2 - 2.0 * (query_features @ prototypes.T)
    dists = jnp.sqrt(jnp.maximum(d2, 0.0))
    return -dists

if __name__ == "__main__":
    import jax
    _d = setup_inputs()
    print(jax.jit(kernel)(*tuple(_d.values())))

</pallas_src>

<mosaic_0001>
#map = affine_map<(d0, d1) -> (0, 0)>
#map1 = affine_map<(d0, d1) -> (0)>
module attributes {stable_mosaic.version = 14 : i64} {
  func.func @sc_kernel(%arg0: i32, %arg1: i32, %arg2: memref<16384x512xf32, #tpu.memory_space<hbm>>, %arg3: memref<16384xi32, #tpu.memory_space<hbm>>, %arg4: memref<256x512xf32, #tpu.memory_space<hbm>>, %arg5: memref<256x16xf32, #tpu.memory_space<hbm>>, %arg6: memref<16400xi32, #tpu.memory_space<vmem>>, %arg7: memref<64x512xf32, #tpu.memory_space<vmem>>, %arg8: memref<8x512xf32, #tpu.memory_space<vmem>>, %arg9: memref<8x16xf32, #tpu.memory_space<vmem>>) attributes {dimension_semantics = [#tpu.dimension_semantics<core_parallel>, #tpu.dimension_semantics<subcore_parallel>], iteration_bounds = array<i64: 2, 16>, scalar_prefetch = 0 : i64, scratch_operands = 4 : i64, tpu.core_type = #tpu.core_type<sc_vector_subcore>, window_params = [{transform_indices = #map}, {transform_indices = #map1}, {transform_indices = #map}, {transform_indices = #map}]} {
    %mul3A = arith.constant 16 : i32
    %mul3A_0 = arith.muli %arg0, %mul3A : i32
    %add3A = arith.addi %mul3A_0, %arg1 : i32
    %mul3A_1 = arith.constant 8 : i32
    %mul3A_2 = arith.muli %add3A, %mul3A_1 : i32
    "tpu.region"() ({
      %run_scoped3A = tpu.sem_alloc : memref<!tpu.dma_semaphore, #tpu.memory_space<semaphore_mem>>
      %dma_start3A = arith.constant 0 : i32
      %dma_start3A_168 = tpu.memref_slice %arg6[%dma_start3A] : memref<16400xi32, #tpu.memory_space<vmem>> -> memref<16384xi32, #tpu.memory_space<vmem>>
      %dma_start3A_169 = arith.constant 0 : i32
      %dma_start3A_170 = tpu.memref_slice %arg6[%dma_start3A_169] : memref<16400xi32, #tpu.memory_space<vmem>> -> memref<16384xi32, #tpu.memory_space<vmem>>
      tpu.enqueue_dma source(%arg3 : memref<16384xi32, #tpu.memory_space<hbm>>) target(%dma_start3A_170 : memref<16384xi32, #tpu.memory_space<vmem>>) target_semaphore(%run_scoped3A : memref<!tpu.dma_semaphore, #tpu.memory_space<semaphore_mem>>)
      %dma_wait3A = arith.constant 0 : i32
      %dma_wait3A_171 = tpu.memref_slice %arg6[%dma_wait3A] : memref<16400xi32, #tpu.memory_space<vmem>> -> memref<16384xi32, #tpu.memory_space<vmem>>
      %dma_wait3A_172 = arith.constant 0 : i32
      %dma_wait3A_173 = tpu.memref_slice %arg6[%dma_wait3A_172] : memref<16400xi32, #tpu.memory_space<vmem>> -> memref<16384xi32, #tpu.memory_space<vmem>>
      tpu.wait_dma2 semaphore(%run_scoped3A : memref<!tpu.dma_semaphore, #tpu.memory_space<semaphore_mem>>) src(%arg3 : memref<16384xi32, #tpu.memory_space<hbm>>) dst(%dma_wait3A_173 : memref<16384xi32, #tpu.memory_space<vmem>>)
      tpu.yield
    }) : () -> ()
    %iota3A = tpu.iota {dimensions = array<i32: 0>} : vector<16xi32>
    %add3A_3 = arith.constant 0 : i32
    %add3A_4 = vector.broadcast %add3A_3 : i32 to vector<16xi32>
    %add3A_5 = arith.addi %iota3A, %add3A_4 : vector<16xi32>
    %add3A_6 = arith.constant 16 : i32
    %add3A_7 = vector.broadcast %add3A_6 : i32 to vector<16xi32>
    %add3A_8 = arith.addi %iota3A, %add3A_7 : vector<16xi32>
    %add3A_9 = arith.constant 32 : i32
    %add3A_10 = vector.broadcast %add3A_9 : i32 to vector<16xi32>
    %add3A_11 = arith.addi %iota3A, %add3A_10 : vector<16xi32>
    %add3A_12 = arith.constant 48 : i32
    %add3A_13 = vector.broadcast %add3A_12 : i32 to vector<16xi32>
    %add3A_14 = arith.addi %iota3A, %add3A_13 : vector<16xi32>
    %add3A_15 = arith.constant 64 : i32
    %add3A_16 = vector.broadcast %add3A_15 : i32 to vector<16xi32>
    %add3A_17 = arith.addi %iota3A, %add3A_16 : vector<16xi32>
    %add3A_18 = arith.constant 80 : i32
    %add3A_19 = vector.broadcast %add3A_18 : i32 to vector<16xi32>
    %add3A_20 = arith.addi %iota3A, %add3A_19 : vector<16xi32>
    %add3A_21 = arith.constant 96 : i32
    %add3A_22 = vector.broadcast %add3A_21 : i32 to vector<16xi32>
    %add3A_23 = arith.addi %iota3A, %add3A_22 : vector<16xi32>
    %add3A_24 = arith.constant 112 : i32
    %add3A_25 = vector.broadcast %add3A_24 : i32 to vector<16xi32>
    %add3A_26 = arith.addi %iota3A, %add3A_25 : vector<16xi32>
    %add3A_27 = arith.constant 128 : i32
    %add3A_28 = vector.broadcast %add3A_27 : i32 to vector<16xi32>
    %add3A_29 = arith.addi %iota3A, %add3A_28 : vector<16xi32>
    %add3A_30 = arith.constant 144 : i32
    %add3A_31 = vector.broadcast %add3A_30 : i32 to vector<16xi32>
    %add3A_32 = arith.addi %iota3A, %add3A_31 : vector<16xi32>
    %add3A_33 = arith.constant 160 : i32
    %add3A_34 = vector.broadcast %add3A_33 : i32 to vector<16xi32>
    %add3A_35 = arith.addi %iota3A, %add3A_34 : vector<16xi32>
    %add3A_36 = arith.constant 176 : i32
    %add3A_37 = vector.broadcast %add3A_36 : i32 to vector<16xi32>
    %add3A_38 = arith.addi %iota3A, %add3A_37 : vector<16xi32>
    %add3A_39 = arith.constant 192 : i32
    %add3A_40 = vector.broadcast %add3A_39 : i32 to vector<16xi32>
    %add3A_41 = arith.addi %iota3A, %add3A_40 : vector<16xi32>
    %add3A_42 = arith.constant 208 : i32
    %add3A_43 = vector.broadcast %add3A_42 : i32 to vector<16xi32>
    %add3A_44 = arith.addi %iota3A, %add3A_43 : vector<16xi32>
    %add3A_45 = arith.constant 224 : i32
    %add3A_46 = vector.broadcast %add3A_45 : i32 to vector<16xi32>
    %add3A_47 = arith.addi %iota3A, %add3A_46 : vector<16xi32>
    %add3A_48 = arith.constant 240 : i32
    %add3A_49 = vector.broadcast %add3A_48 : i32 to vector<16xi32>
    %add3A_50 = arith.addi %iota3A, %add3A_49 : vector<16xi32>
    %add3A_51 = arith.constant 256 : i32
    %add3A_52 = vector.broadcast %add3A_51 : i32 to vector<16xi32>
    %add3A_53 = arith.addi %iota3A, %add3A_52 : vector<16xi32>
    %add3A_54 = arith.constant 272 : i32
    %add3A_55 = vector.broadcast %add3A_54 : i32 to vector<16xi32>
    %add3A_56 = arith.addi %iota3A, %add3A_55 : vector<16xi32>
    %add3A_57 = arith.constant 288 : i32
    %add3A_58 = vector.broadcast %add3A_57 : i32 to vector<16xi32>
    %add3A_59 = arith.addi %iota3A, %add3A_58 : vector<16xi32>
    %add3A_60 = arith.constant 304 : i32
    %add3A_61 = vector.broadcast %add3A_60 : i32 to vector<16xi32>
    %add3A_62 = arith.addi %iota3A, %add3A_61 : vector<16xi32>
    %add3A_63 = arith.constant 320 : i32
    %add3A_64 = vector.broadcast %add3A_63 : i32 to vector<16xi32>
    %add3A_65 = arith.addi %iota3A, %add3A_64 : vector<16xi32>
    %add3A_66 = arith.constant 336 : i32
    %add3A_67 = vector.broadcast %add3A_66 : i32 to vector<16xi32>
    %add3A_68 = arith.addi %iota3A, %add3A_67 : vector<16xi32>
    %add3A_69 = arith.constant 352 : i32
    %add3A_70 = vector.broadcast %add3A_69 : i32 to vector<16xi32>
    %add3A_71 = arith.addi %iota3A, %add3A_70 : vector<16xi32>
    %add3A_72 = arith.constant 368 : i32
    %add3A_73 = vector.broadcast %add3A_72 : i32 to vector<16xi32>
    %add3A_74 = arith.addi %iota3A, %add3A_73 : vector<16xi32>
    %add3A_75 = arith.constant 384 : i32
    %add3A_76 = vector.broadcast %add3A_75 : i32 to vector<16xi32>
    %add3A_77 = arith.addi %iota3A, %add3A_76 : vector<16xi32>
    %add3A_78 = arith.constant 400 : i32
    %add3A_79 = vector.broadcast %add3A_78 : i32 to vector<16xi32>
    %add3A_80 = arith.addi %iota3A, %add3A_79 : vector<16xi32>
    %add3A_81 = arith.constant 416 : i32
    %add3A_82 = vector.broadcast %add3A_81 : i32 to vector<16xi32>
    %add3A_83 = arith.addi %iota3A, %add3A_82 : vector<16xi32>
    %add3A_84 = arith.constant 432 : i32
    %add3A_85 = vector.broadcast %add3A_84 : i32 to vector<16xi32>
    %add3A_86 = arith.addi %iota3A, %add3A_85 : vector<16xi32>
    %add3A_87 = arith.constant 448 : i32
    %add3A_88 = vector.broadcast %add3A_87 : i32 to vector<16xi32>
    %add3A_89 = arith.addi %iota3A, %add3A_88 : vector<16xi32>
    %add3A_90 = arith.constant 464 : i32
    %add3A_91 = vector.broadcast %add3A_90 : i32 to vector<16xi32>
    %add3A_92 = arith.addi %iota3A, %add3A_91 : vector<16xi32>
    %add3A_93 = arith.constant 480 : i32
    %add3A_94 = vector.broadcast %add3A_93 : i32 to vector<16xi32>
    %add3A_95 = arith.addi %iota3A, %add3A_94 : vector<16xi32>
    %add3A_96 = arith.constant 496 : i32
    %add3A_97 = vector.broadcast %add3A_96 : i32 to vector<16xi32>
    %add3A_98 = arith.addi %iota3A, %add3A_97 : vector<16xi32>
    %broadcast_in_dim3A = arith.constant 0.000000e+00 : f32
    %broadcast_in_dim3A_99 = vector.broadcast %broadcast_in_dim3A : f32 to vector<16xf32>
    %broadcast_in_dim3A_100 = arith.constant 0.000000e+00 : f32
    %broadcast_in_dim3A_101 = vector.broadcast %broadcast_in_dim3A_100 : f32 to vector<16xf32>
    %broadcast_in_dim3A_102 = arith.constant 0.000000e+00 : f32
    %broadcast_in_dim3A_103 = vector.broadcast %broadcast_in_dim3A_102 : f32 to vector<16xf32>
    %broadcast_in_dim3A_104 = arith.constant 0.000000e+00 : f32
    %broadcast_in_dim3A_105 = vector.broadcast %broadcast_in_dim3A_104 : f32 to vector<16xf32>
    %broadcast_in_dim3A_106 = arith.constant 0.000000e+00 : f32
    %broadcast_in_dim3A_107 = vector.broadcast %broadcast_in_dim3A_106 : f32 to vector<16xf32>
    %broadcast_in_dim3A_108 = arith.constant 0.000000e+00 : f32
    %broadcast_in_dim3A_109 = vector.broadcast %broadcast_in_dim3A_108 : f32 to vector<16xf32>
    %broadcast_in_dim3A_110 = arith.constant 0.000000e+00 : f32
    %broadcast_in_dim3A_111 = vector.broadcast %broadcast_in_dim3A_110 : f32 to vector<16xf32>
    %broadcast_in_dim3A_112 = arith.constant 0.000000e+00 : f32
    %broadcast_in_dim3A_113 = vector.broadcast %broadcast_in_dim3A_112 : f32 to vector<16xf32>
    %broadcast_in_dim3A_114 = arith.constant 0.000000e+00 : f32
    %broadcast_in_dim3A_115 = vector.broadcast %broadcast_in_dim3A_114 : f32 to vector<16xf32>
    %broadcast_in_dim3A_116 = arith.constant 0.000000e+00 : f32
    %broadcast_in_dim3A_117 = vector.broadcast %broadcast_in_dim3A_116 : f32 to vector<16xf32>
    %broadcast_in_dim3A_118 = arith.constant 0.000000e+00 : f32
    %broadcast_in_dim3A_119 = vector.broadcast %broadcast_in_dim3A_118 : f32 to vector<16xf32>
    %broadcast_in_dim3A_120 = arith.constant 0.000000e+00 : f32
    %broadcast_in_dim3A_121 = vector.broadcast %broadcast_in_dim3A_120 : f32 to vector<16xf32>
    %broadcast_in_dim3A_122 = arith.constant 0.000000e+00 : f32
    %broadcast_in_dim3A_123 = vector.broadcast %broadcast_in_dim3A_122 : f32 to vector<16xf32>
    %broadcast_in_dim3A_124 = arith.constant 0.000000e+00 : f32
    %broadcast_in_dim3A_125 = vector.broadcast %broadcast_in_dim3A_124 : f32 to vector<16xf32>
    %broadcast_in_dim3A_126 = arith.constant 0.000000e+00 : f32
    %broadcast_in_dim3A_127 = vector.broadcast %broadcast_in_dim3A_126 : f32 to vector<16xf32>
    %broadcast_in_dim3A_128 = arith.constant 0.000000e+00 : f32
    %broadcast_in_dim3A_129 = vector.broadcast %broadcast_in_dim3A_128 : f32 to vector<16xf32>
    %broadcast_in_dim3A_130 = arith.constant 0.000000e+00 : f32
    %broadcast_in_dim3A_131 = vector.broadcast %broadcast_in_dim3A_130 : f32 to vector<16xf32>
    %broadcast_in_dim3A_132 = arith.constant 0.000000e+00 : f32
    %broadcast_in_dim3A_133 = vector.broadcast %broadcast_in_dim3A_132 : f32 to vector<16xf32>
    %broadcast_in_dim3A_134 = arith.constant 0.000000e+00 : f32
    %broadcast_in_dim3A_135 = vector.broadcast %broadcast_in_dim3A_134 : f32 to vector<16xf32>
    %broadcast_in_dim3A_136 = arith.constant 0.000000e+00 : f32
    %broadcast_in_dim3A_137 = vector.broadcast %broadcast_in_dim3A_136 : f32 to vector<16xf32>
    %broadcast_in_dim3A_138 = arith.constant 0.000000e+00 : f32
    %broadcast_in_dim3A_139 = vector.broadcast %broadcast_in_dim3A_138 : f32 to vector<16xf32>
    %broadcast_in_dim3A_140 = arith.constant 0.000000e+00 : f32
    %broadcast_in_dim3A_141 = vector.broadcast %broadcast_in_dim3A_140 : f32 to vector<16xf32>
    %broadcast_in_dim3A_142 = arith.constant 0.000000e+00 : f32
    %broadcast_in_dim3A_143 = vector.broadcast %broadcast_in_dim3A_142 : f32 to vector<16xf32>
    %broadcast_in_dim3A_144 = arith.constant 0.000000e+00 : f32
    %broadcast_in_dim3A_145 = vector.broadcast %broadcast_in_dim3A_144 : f32 to vector<16xf32>
    %broadcast_in_dim3A_146 = arith.constant 0.000000e+00 : f32
    %broadcast_in_dim3A_147 = vector.broadcast %broadcast_in_dim3A_146 : f32 to vector<16xf32>
    %broadcast_in_dim3A_148 = arith.constant 0.000000e+00 : f32
    %broadcast_in_dim3A_149 = vector.broadcast %broadcast_in_dim3A_148 : f32 to vector<16xf32>
    %broadcast_in_dim3A_150 = arith.constant 0.000000e+00 : f32
    %broadcast_in_dim3A_151 = vector.broadcast %broadcast_in_dim3A_150 : f32 to vector<16xf32>
    %broadcast_in_dim3A_152 = arith.constant 0.000000e+00 : f32
    %broadcast_in_dim3A_153 = vector.broadcast %broadcast_in_dim3A_152 : f32 to vector<16xf32>
    %broadcast_in_dim3A_154 = arith.constant 0.000000e+00 : f32
    %broadcast_in_dim3A_155 = vector.broadcast %broadcast_in_dim3A_154 : f32 to vector<16xf32>
    %broadcast_in_dim3A_156 = arith.constant 0.000000e+00 : f32
    %broadcast_in_dim3A_157 = vector.broadcast %broadcast_in_dim3A_156 : f32 to vector<16xf32>
    %broadcast_in_dim3A_158 = arith.constant 0.000000e+00 : f32
    %broadcast_in_dim3A_159 = vector.broadcast %broadcast_in_dim3A_158 : f32 to vector<16xf32>
    %broadcast_in_dim3A_160 = arith.constant 0.000000e+00 : f32
    %broadcast_in_dim3A_161 = vector.broadcast %broadcast_in_dim3A_160 : f32 to vector<16xf32>
    %scan3A = arith.constant 0 : i32
    %scan3A_162 = arith.constant 0 : i32
    %scan3A_163 = arith.constant 8 : i32
    %scan3A_164 = arith.addi %scan3A_162, %scan3A_163 : i32
    %scan3A_165 = arith.constant 1 : i32
    %scan3A_166 = scf.for %scan3A_168 = %scan3A_162 to %scan3A_164 step %scan3A_165 iter_args(%scan3A_169 = %scan3A) -> (i32)  : i32 {
      %add3A_170 = arith.addi %mul3A_2, %scan3A_168 : i32
      %add3A_171 = arith.constant 0 : i32
      %add3A_172 = arith.constant 8192 : i32
      %add3A_173 = arith.addi %add3A_171, %add3A_172 : i32
      %sub3A = arith.constant 1 : i32
      %sub3A_174 = arith.subi %add3A_173, %sub3A : i32
      %get3A = arith.index_cast %sub3A_174 : i32 to index
      %get3A_175 = tpu.vector_load %arg6[%get3A] {strides = array<i32>} : memref<16400xi32, #tpu.memory_space<vmem>>, vector<16xi32>,
      %slice3A = vector.extract_strided_slice %get3A_175 {offsets = [0], sizes = [1], strides = [1]} : vector<16xi32> to vector<1xi32>
      %squeeze3A = vector.extract %slice3A[0] : i32 from vector<1xi32>
      %lt3A = arith.cmpi slt, %squeeze3A, %add3A_170 : i32
      %jit3A = arith.constant 0 : i32
      %select_n3A = arith.select %lt3A, %add3A_173, %jit3A : i32
      %add3A_176 = arith.constant 4096 : i32
      %add3A_177 = arith.addi %select_n3A, %add3A_176 : i32
      %sub3A_178 = arith.constant 1 : i32
      %sub3A_179 = arith.subi %add3A_177, %sub3A_178 : i32
      %get3A_180 = arith.index_cast %sub3A_179 : i32 to index
      %get3A_181 = tpu.vector_load %arg6[%get3A_180] {strides = array<i32>} : memref<16400xi32, #tpu.memory_space<vmem>>, vector<16xi32>,
      %slice3A_182 = vector.extract_strided_slice %get3A_181 {offsets = [0], sizes = [1], strides = [1]} : vector<16xi32> to vector<1xi32>
      %squeeze3A_183 = vector.extract %slice3A_182[0] : i32 from vector<1xi32>
      %lt3A_184 = arith.cmpi slt, %squeeze3A_183, %add3A_170 : i32
      %select_n3A_185 = arith.select %lt3A_184, %add3A_177, %select_n3A : i32
      %add3A_186 = arith.constant 2048 : i32
      %add3A_187 = arith.addi %select_n3A_185, %add3A_186 : i32
      %sub3A_188 = arith.constant 1 : i32
      %sub3A_189 = arith.subi %add3A_187, %sub3A_188 : i32
      %get3A_190 = arith.index_cast %sub3A_189 : i32 to index
      %get3A_191 = tpu.vector_load %arg6[%get3A_190] {strides = array<i32>} : memref<16400xi32, #tpu.memory_space<vmem>>, vector<16xi32>,
      %slice3A_192 = vector.extract_strided_slice %get3A_191 {offsets = [0], sizes = [1], strides = [1]} : vector<16xi32> to vector<1xi32>
      %squeeze3A_193 = vector.extract %slice3A_192[0] : i32 from vector<1xi32>
      %lt3A_194 = arith.cmpi slt, %squeeze3A_193, %add3A_170 : i32
      %select_n3A_195 = arith.select %lt3A_194, %add3A_187, %select_n3A_185 : i32
      %add3A_196 = arith.constant 1024 : i32
      %add3A_197 = arith.addi %select_n3A_195, %add3A_196 : i32
      %sub3A_198 = arith.constant 1 : i32
      %sub3A_199 = arith.subi %add3A_197, %sub3A_198 : i32
      %get3A_200 = arith.index_cast %sub3A_199 : i32 to index
      %get3A_201 = tpu.vector_load %arg6[%get3A_200] {strides = array<i32>} : memref<16400xi32, #tpu.memory_space<vmem>>, vector<16xi32>,
      %slice3A_202 = vector.extract_strided_slice %get3A_201 {offsets = [0], sizes = [1], strides = [1]} : vector<16xi32> to vector<1xi32>
      %squeeze3A_203 = vector.extract %slice3A_202[0] : i32 from vector<1xi32>
      %lt3A_204 = arith.cmpi slt, %squeeze3A_203, %add3A_170 : i32
      %select_n3A_205 = arith.select %lt3A_204, %add3A_197, %select_n3A_195 : i32
      %add3A_206 = arith.constant 512 : i32
      %add3A_207 = arith.addi %select_n3A_205, %add3A_206 : i32
      %sub3A_208 = arith.constant 1 : i32
      %sub3A_209 = arith.subi %add3A_207, %sub3A_208 : i32
      %get3A_210 = arith.index_cast %sub3A_209 : i32 to index
      %get3A_211 = tpu.vector_load %arg6[%get3A_210] {strides = array<i32>} : memref<16400xi32, #tpu.memory_space<vmem>>, vector<16xi32>,
      %slice3A_212 = vector.extract_strided_slice %get3A_211 {offsets = [0], sizes = [1], strides = [1]} : vector<16xi32> to vector<1xi32>
      %squeeze3A_213 = vector.extract %slice3A_212[0] : i32 from vector<1xi32>
      %lt3A_214 = arith.cmpi slt, %squeeze3A_213, %add3A_170 : i32
      %select_n3A_215 = arith.select %lt3A_214, %add3A_207, %select_n3A_205 : i32
      %add3A_216 = arith.constant 256 : i32
      %add3A_217 = arith.addi %select_n3A_215, %add3A_216 : i32
      %sub3A_218 = arith.constant 1 : i32
      %sub3A_219 = arith.subi %add3A_217, %sub3A_218 : i32
      %get3A_220 = arith.index_cast %sub3A_219 : i32 to index
      %get3A_221 = tpu.vector_load %arg6[%get3A_220] {strides = array<i32>} : memref<16400xi32, #tpu.memory_space<vmem>>, vector<16xi32>,
      %slice3A_222 = vector.extract_strided_slice %get3A_221 {offsets = [0], sizes = [1], strides = [1]} : vector<16xi32> to vector<1xi32>
      %squeeze3A_223 = vector.extract %slice3A_222[0] : i32 from vector<1xi32>
      %lt3A_224 = arith.cmpi slt, %squeeze3A_223, %add3A_170 : i32
      %select_n3A_225 = arith.select %lt3A_224, %add3A_217, %select_n3A_215 : i32
      %add3A_226 = arith.constant 128 : i32
      %add3A_227 = arith.addi %select_n3A_225, %add3A_226 : i32
      %sub3A_228 = arith.constant 1 : i32
      %sub3A_229 = arith.subi %add3A_227, %sub3A_228 : i32
      %get3A_230 = arith.index_cast %sub3A_229 : i32 to index
      %get3A_231 = tpu.vector_load %arg6[%get3A_230] {strides = array<i32>} : memref<16400xi32, #tpu.memory_space<vmem>>, vector<16xi32>,
      %slice3A_232 = vector.extract_strided_slice %get3A_231 {offsets = [0], sizes = [1], strides = [1]} : vector<16xi32> to vector<1xi32>
      %squeeze3A_233 = vector.extract %slice3A_232[0] : i32 from vector<1xi32>
      %lt3A_234 = arith.cmpi slt, %squeeze3A_233, %add3A_170 : i32
      %select_n3A_235 = arith.select %lt3A_234, %add3A_227, %select_n3A_225 : i32
      %add3A_236 = arith.constant 64 : i32
      %add3A_237 = arith.addi %select_n3A_235, %add3A_236 : i32
      %sub3A_238 = arith.constant 1 : i32
      %sub3A_239 = arith.subi %add3A_237, %sub3A_238 : i32
      %get3A_240 = arith.index_cast %sub3A_239 : i32 to index
      %get3A_241 = tpu.vector_load %arg6[%get3A_240] {strides = array<i32>} : memref<16400xi32, #tpu.memory_space<vmem>>, vector<16xi32>,
      %slice3A_242 = vector.extract_strided_slice %get3A_241 {offsets = [0], sizes = [1], strides = [1]} : vector<16xi32> to vector<1xi32>
      %squeeze3A_243 = vector.extract %slice3A_242[0] : i32 from vector<1xi32>
      %lt3A_244 = arith.cmpi slt, %squeeze3A_243, %add3A_170 : i32
      %select_n3A_245 = arith.select %lt3A_244, %add3A_237, %select_n3A_235 : i32
      %add3A_246 = arith.constant 32 : i32
      %add3A_247 = arith.addi %select_n3A_245, %add3A_246 : i32
      %sub3A_248 = arith.constant 1 : i32
      %sub3A_249 = arith.subi %add3A_247, %sub3A_248 : i32
      %get3A_250 = arith.index_cast %sub3A_249 : i32 to index
      %get3A_251 = tpu.vector_load %arg6[%get3A_250] {strides = array<i32>} : memref<16400xi32, #tpu.memory_space<vmem>>, vector<16xi32>,
      %slice3A_252 = vector.extract_strided_slice %get3A_251 {offsets = [0], sizes = [1], strides = [1]} : vector<16xi32> to vector<1xi32>
      %squeeze3A_253 = vector.extract %slice3A_252[0] : i32 from vector<1xi32>
      %lt3A_254 = arith.cmpi slt, %squeeze3A_253, %add3A_170 : i32
      %select_n3A_255 = arith.select %lt3A_254, %add3A_247, %select_n3A_245 : i32
      %add3A_256 = arith.constant 16 : i32
      %add3A_257 = arith.addi %select_n3A_255, %add3A_256 : i32
      %sub3A_258 = arith.constant 1 : i32
      %sub3A_259 = arith.subi %add3A_257, %sub3A_258 : i32
      %get3A_260 = arith.index_cast %sub3A_259 : i32 to index
      %get3A_261 = tpu.vector_load %arg6[%get3A_260] {strides = array<i32>} : memref<16400xi32, #tpu.memory_space<vmem>>, vector<16xi32>,
      %slice3A_262 = vector.extract_strided_slice %get3A_261 {offsets = [0], sizes = [1], strides = [1]} : vector<16xi32> to vector<1xi32>
      %squeeze3A_263 = vector.extract %slice3A_262[0] : i32 from vector<1xi32>
      %lt3A_264 = arith.cmpi slt, %squeeze3A_263, %add3A_170 : i32
      %select_n3A_265 = arith.select %lt3A_264, %add3A_257, %select_n3A_255 : i32
      %add3A_266 = arith.constant 8 : i32
      %add3A_267 = arith.addi %select_n3A_265, %add3A_266 : i32
      %sub3A_268 = arith.constant 1 : i32
      %sub3A_269 = arith.subi %add3A_267, %sub3A_268 : i32
      %get3A_270 = arith.index_cast %sub3A_269 : i32 to index
      %get3A_271 = tpu.vector_load %arg6[%get3A_270] {strides = array<i32>} : memref<16400xi32, #tpu.memory_space<vmem>>, vector<16xi32>,
      %slice3A_272 = vector.extract_strided_slice %get3A_271 {offsets = [0], sizes = [1], strides = [1]} : vector<16xi32> to vector<1xi32>
      %squeeze3A_273 = vector.extract %slice3A_272[0] : i32 from vector<1xi32>
      %lt3A_274 = arith.cmpi slt, %squeeze3A_273, %add3A_170 : i32
      %select_n3A_275 = arith.select %lt3A_274, %add3A_267, %select_n3A_265 : i32
      %add3A_276 = arith.constant 4 : i32
      %add3A_277 = arith.addi %select_n3A_275, %add3A_276 : i32
      %sub3A_278 = arith.constant 1 : i32
      %sub3A_279 = arith.subi %add3A_277, %sub3A_278 : i32
      %get3A_280 = arith.index_cast %sub3A_279 : i32 to index
      %get3A_281 = tpu.vector_load %arg6[%get3A_280] {strides = array<i32>} : memref<16400xi32, #tpu.memory_space<vmem>>, vector<16xi32>,
      %slice3A_282 = vector.extract_strided_slice %get3A_281 {offsets = [0], sizes = [1], strides = [1]} : vector<16xi32> to vector<1xi32>
      %squeeze3A_283 = vector.extract %slice3A_282[0] : i32 from vector<1xi32>
      %lt3A_284 = arith.cmpi slt, %squeeze3A_283, %add3A_170 : i32
      %select_n3A_285 = arith.select %lt3A_284, %add3A_277, %select_n3A_275 : i32
      %add3A_286 = arith.constant 2 : i32
      %add3A_287 = arith.addi %select_n3A_285, %add3A_286 : i32
      %sub3A_288 = arith.constant 1 : i32
      %sub3A_289 = arith.subi %add3A_287, %sub3A_288 : i32
      %get3A_290 = arith.index_cast %sub3A_289 : i32 to index
      %get3A_291 = tpu.vector_load %arg6[%get3A_290] {strides = array<i32>} : memref<16400xi32, #tpu.memory_space<vmem>>, vector<16xi32>,
      %slice3A_292 = vector.extract_strided_slice %get3A_291 {offsets = [0], sizes = [1], strides = [1]} : vector<16xi32> to vector<1xi32>
      %squeeze3A_293 = vector.extract %slice3A_292[0] : i32 from vector<1xi32>
      %lt3A_294 = arith.cmpi slt, %squeeze3A_293, %add3A_170 : i32
      %select_n3A_295 = arith.select %lt3A_294, %add3A_287, %select_n3A_285 : i32
      %add3A_296 = arith.constant 1 : i32
      %add3A_297 = arith.addi %select_n3A_295, %add3A_296 : i32
      %sub3A_298 = arith.constant 1 : i32
      %sub3A_299 = arith.subi %add3A_297, %sub3A_298 : i32
      %get3A_300 = arith.index_cast %sub3A_299 : i32 to index
      %get3A_301 = tpu.vector_load %arg6[%get3A_300] {strides = array<i32>} : memref<16400xi32, #tpu.memory_space<vmem>>, vector<16xi32>,
      %slice3A_302 = vector.extract_strided_slice %get3A_301 {offsets = [0], sizes = [1], strides = [1]} : vector<16xi32> to vector<1xi32>
      %squeeze3A_303 = vector.extract %slice3A_302[0] : i32 from vector<1xi32>
      %lt3A_304 = arith.cmpi slt, %squeeze3A_303, %add3A_170 : i32
      %select_n3A_305 = arith.select %lt3A_304, %add3A_297, %select_n3A_295 : i32
      %add3A_306 = arith.constant 1 : i32
      %add3A_307 = arith.addi %select_n3A_305, %add3A_306 : i32
      %get3A_308 = arith.index_cast %select_n3A_305 : i32 to index
      %get3A_309 = tpu.vector_load %arg6[%get3A_308] {strides = array<i32>} : memref<16400xi32, #tpu.memory_space<vmem>>, vector<16xi32>,
      %slice3A_310 = vector.extract_strided_slice %get3A_309 {offsets = [0], sizes = [1], strides = [1]} : vector<16xi32> to vector<1xi32>
      %squeeze3A_311 = vector.extract %slice3A_310[0] : i32 from vector<1xi32>
      %lt3A_312 = arith.cmpi slt, %squeeze3A_311, %add3A_170 : i32
      %select_n3A_313 = arith.select %lt3A_312, %add3A_307, %select_n3A_305 : i32
      %add3A_314 = arith.addi %mul3A_2, %scan3A_168 : i32
      %add3A_315 = arith.constant 1 : i32
      %add3A_316 = arith.addi %add3A_314, %add3A_315 : i32
      %add3A_317 = arith.constant 0 : i32
      %add3A_318 = arith.constant 8192 : i32
      %add3A_319 = arith.addi %add3A_317, %add3A_318 : i32
      %sub3A_320 = arith.constant 1 : i32
      %sub3A_321 = arith.subi %add3A_319, %sub3A_320 : i32
      %get3A_322 = arith.index_cast %sub3A_321 : i32 to index
      %get3A_323 = tpu.vector_load %arg6[%get3A_322] {strides = array<i32>} : memref<16400xi32, #tpu.memory_space<vmem>>, vector<16xi32>,
      %slice3A_324 = vector.extract_strided_slice %get3A_323 {offsets = [0], sizes = [1], strides = [1]} : vector<16xi32> to vector<1xi32>
      %squeeze3A_325 = vector.extract %slice3A_324[0] : i32 from vector<1xi32>
      %lt3A_326 = arith.cmpi slt, %squeeze3A_325, %add3A_316 : i32
      %jit3A_327 = arith.constant 0 : i32
      %select_n3A_328 = arith.select %lt3A_326, %add3A_319, %jit3A_327 : i32
      %add3A_329 = arith.constant 4096 : i32
      %add3A_330 = arith.addi %select_n3A_328, %add3A_329 : i32
      %sub3A_331 = arith.constant 1 : i32
      %sub3A_332 = arith.subi %add3A_330, %sub3A_331 : i32
      %get3A_333 = arith.index_cast %sub3A_332 : i32 to index
      %get3A_334 = tpu.vector_load %arg6[%get3A_333] {strides = array<i32>} : memref<16400xi32, #tpu.memory_space<vmem>>, vector<16xi32>,
      %slice3A_335 = vector.extract_strided_slice %get3A_334 {offsets = [0], sizes = [1], strides = [1]} : vector<16xi32> to vector<1xi32>
      %squeeze3A_336 = vector.extract %slice3A_335[0] : i32 from vector<1xi32>
      %lt3A_337 = arith.cmpi slt, %squeeze3A_336, %add3A_316 : i32
      %select_n3A_338 = arith.select %lt3A_337, %add3A_330, %select_n3A_328 : i32
      %add3A_339 = arith.constant 2048 : i32
      %add3A_340 = arith.addi %select_n3A_338, %add3A_339 : i32
      %sub3A_341 = arith.constant 1 : i32
      %sub3A_342 = arith.subi %add3A_340, %sub3A_341 : i32
      %get3A_343 = arith.index_cast %sub3A_342 : i32 to index
      %get3A_344 = tpu.vector_load %arg6[%get3A_343] {strides = array<i32>} : memref<16400xi32, #tpu.memory_space<vmem>>, vector<16xi32>,
      %slice3A_345 = vector.extract_strided_slice %get3A_344 {offsets = [0], sizes = [1], strides = [1]} : vector<16xi32> to vector<1xi32>
      %squeeze3A_346 = vector.extract %slice3A_345[0] : i32 from vector<1xi32>
      %lt3A_347 = arith.cmpi slt, %squeeze3A_346, %add3A_316 : i32
      %select_n3A_348 = arith.select %lt3A_347, %add3A_340, %select_n3A_338 : i32
      %add3A_349 = arith.constant 1024 : i32
      %add3A_350 = arith.addi %select_n3A_348, %add3A_349 : i32
      %sub3A_351 = arith.constant 1 : i32
      %sub3A_352 = arith.subi %add3A_350, %sub3A_351 : i32
      %get3A_353 = arith.index_cast %sub3A_352 : i32 to index
      %get3A_354 = tpu.vector_load %arg6[%get3A_353] {strides = array<i32>} : memref<16400xi32, #tpu.memory_space<vmem>>, vector<16xi32>,
      %slice3A_355 = vector.extract_strided_slice %get3A_354 {offsets = [0], sizes = [1], strides = [1]} : vector<16xi32> to vector<1xi32>
      %squeeze3A_356 = vector.extract %slice3A_355[0] : i32 from vector<1xi32>
      %lt3A_357 = arith.cmpi slt, %squeeze3A_356, %add3A_316 : i32
      %select_n3A_358 = arith.select %lt3A_357, %add3A_350, %select_n3A_348 : i32
      %add3A_359 = arith.constant 512 : i32
      %add3A_360 = arith.addi %select_n3A_358, %add3A_359 : i32
      %sub3A_361 = arith.constant 1 : i32
      %sub3A_362 = arith.subi %add3A_360, %sub3A_361 : i32
      %get3A_363 = arith.index_cast %sub3A_362 : i32 to index
      %get3A_364 = tpu.vector_load %arg6[%get3A_363] {strides = array<i32>} : memref<16400xi32, #tpu.memory_space<vmem>>, vector<16xi32>,
      %slice3A_365 = vector.extract_strided_slice %get3A_364 {offsets = [0], sizes = [1], strides = [1]} : vector<16xi32> to vector<1xi32>
      %squeeze3A_366 = vector.extract %slice3A_365[0] : i32 from vector<1xi32>
      %lt3A_367 = arith.cmpi slt, %squeeze3A_366, %add3A_316 : i32
      %select_n3A_368 = arith.select %lt3A_367, %add3A_360, %select_n3A_358 : i32
      %add3A_369 = arith.constant 256 : i32
      %add3A_370 = arith.addi %select_n3A_368, %add3A_369 : i32
      %sub3A_371 = arith.constant 1 : i32
      %sub3A_372 = arith.subi %add3A_370, %sub3A_371 : i32
      %get3A_373 = arith.index_cast %sub3A_372 : i32 to index
      %get3A_374 = tpu.vector_load %arg6[%get3A_373] {strides = array<i32>} : memref<16400xi32, #tpu.memory_space<vmem>>, vector<16xi32>,
      %slice3A_375 = vector.extract_strided_slice %get3A_374 {offsets = [0], sizes = [1], strides = [1]} : vector<16xi32> to vector<1xi32>
      %squeeze3A_376 = vector.extract %slice3A_375[0] : i32 from vector<1xi32>
      %lt3A_377 = arith.cmpi slt, %squeeze3A_376, %add3A_316 : i32
      %select_n3A_378 = arith.select %lt3A_377, %add3A_370, %select_n3A_368 : i32
      %add3A_379 = arith.constant 128 : i32
      %add3A_380 = arith.addi %select_n3A_378, %add3A_379 : i32
      %sub3A_381 = arith.constant 1 : i32
      %sub3A_382 = arith.subi %add3A_380, %sub3A_381 : i32
      %get3A_383 = arith.index_cast %sub3A_382 : i32 to index
      %get3A_384 = tpu.vector_load %arg6[%get3A_383] {strides = array<i32>} : memref<16400xi32, #tpu.memory_space<vmem>>, vector<16xi32>,
      %slice3A_385 = vector.extract_strided_slice %get3A_384 {offsets = [0], sizes = [1], strides = [1]} : vector<16xi32> to vector<1xi32>
      %squeeze3A_386 = vector.extract %slice3A_385[0] : i32 from vector<1xi32>
      %lt3A_387 = arith.cmpi slt, %squeeze3A_386, %add3A_316 : i32
      %select_n3A_388 = arith.select %lt3A_387, %add3A_380, %select_n3A_378 : i32
      %add3A_389 = arith.constant 64 : i32
      %add3A_390 = arith.addi %select_n3A_388, %add3A_389 : i32
      %sub3A_391 = arith.constant 1 : i32
      %sub3A_392 = arith.subi %add3A_390, %sub3A_391 : i32
      %get3A_393 = arith.index_cast %sub3A_392 : i32 to index
      %get3A_394 = tpu.vector_load %arg6[%get3A_393] {strides = array<i32>} : memref<16400xi32, #tpu.memory_space<vmem>>, vector<16xi32>,
      %slice3A_395 = vector.extract_strided_slice %get3A_394 {offsets = [0], sizes = [1], strides = [1]} : vector<16xi32> to vector<1xi32>
      %squeeze3A_396 = vector.extract %slice3A_395[0] : i32 from vector<1xi32>
      %lt3A_397 = arith.cmpi slt, %squeeze3A_396, %add3A_316 : i32
      %select_n3A_398 = arith.select %lt3A_397, %add3A_390, %select_n3A_388 : i32
      %add3A_399 = arith.constant 32 : i32
      %add3A_400 = arith.addi %select_n3A_398, %add3A_399 : i32
      %sub3A_401 = arith.constant 1 : i32
      %sub3A_402 = arith.subi %add3A_400, %sub3A_401 : i32
      %get3A_403 = arith.index_cast %sub3A_402 : i32 to index
      %get3A_404 = tpu.vector_load %arg6[%get3A_403] {strides = array<i32>} : memref<16400xi32, #tpu.memory_space<vmem>>, vector<16xi32>,
      %slice3A_405 = vector.extract_strided_slice %get3A_404 {offsets = [0], sizes = [1], strides = [1]} : vector<16xi32> to vector<1xi32>
      %squeeze3A_406 = vector.extract %slice3A_405[0] : i32 from vector<1xi32>
      %lt3A_407 = arith.cmpi slt, %squeeze3A_406, %add3A_316 : i32
      %select_n3A_408 = arith.select %lt3A_407, %add3A_400, %select_n3A_398 : i32
      %add3A_409 = arith.constant 16 : i32
      %add3A_410 = arith.addi %select_n3A_408, %add3A_409 : i32
      %sub3A_411 = arith.constant 1 : i32
      %sub3A_412 = arith.subi %add3A_410, %sub3A_411 : i32
      %get3A_413 = arith.index_cast %sub3A_412 : i32 to index
      %get3A_414 = tpu.vector_load %arg6[%get3A_413] {strides = array<i32>} : memref<16400xi32, #tpu.memory_space<vmem>>, vector<16xi32>,
      %slice3A_415 = vector.extract_strided_slice %get3A_414 {offsets = [0], sizes = [1], strides = [1]} : vector<16xi32> to vector<1xi32>
      %squeeze3A_416 = vector.extract %slice3A_415[0] : i32 from vector<1xi32>
      %lt3A_417 = arith.cmpi slt, %squeeze3A_416, %add3A_316 : i32
      %select_n3A_418 = arith.select %lt3A_417, %add3A_410, %select_n3A_408 : i32
      %add3A_419 = arith.constant 8 : i32
      %add3A_420 = arith.addi %select_n3A_418, %add3A_419 : i32
      %sub3A_421 = arith.constant 1 : i32
      %sub3A_422 = arith.subi %add3A_420, %sub3A_421 : i32
      %get3A_423 = arith.index_cast %sub3A_422 : i32 to index
      %get3A_424 = tpu.vector_load %arg6[%get3A_423] {strides = array<i32>} : memref<16400xi32, #tpu.memory_space<vmem>>, vector<16xi32>,
      %slice3A_425 = vector.extract_strided_slice %get3A_424 {offsets = [0], sizes = [1], strides = [1]} : vector<16xi32> to vector<1xi32>
      %squeeze3A_426 = vector.extract %slice3A_425[0] : i32 from vector<1xi32>
      %lt3A_427 = arith.cmpi slt, %squeeze3A_426, %add3A_316 : i32
      %select_n3A_428 = arith.select %lt3A_427, %add3A_420, %select_n3A_418 : i32
      %add3A_429 = arith.constant 4 : i32
      %add3A_430 = arith.addi %select_n3A_428, %add3A_429 : i32
      %sub3A_431 = arith.constant 1 : i32
      %sub3A_432 = arith.subi %add3A_430, %sub3A_431 : i32
      %get3A_433 = arith.index_cast %sub3A_432 : i32 to index
      %get3A_434 = tpu.vector_load %arg6[%get3A_433] {strides = array<i32>} : memref<16400xi32, #tpu.memory_space<vmem>>, vector<16xi32>,
      %slice3A_435 = vector.extract_strided_slice %get3A_434 {offsets = [0], sizes = [1], strides = [1]} : vector<16xi32> to vector<1xi32>
      %squeeze3A_436 = vector.extract %slice3A_435[0] : i32 from vector<1xi32>
      %lt3A_437 = arith.cmpi slt, %squeeze3A_436, %add3A_316 : i32
      %select_n3A_438 = arith.select %lt3A_437, %add3A_430, %select_n3A_428 : i32
      %add3A_439 = arith.constant 2 : i32
      %add3A_440 = arith.addi %select_n3A_438, %add3A_439 : i32
      %sub3A_441 = arith.constant 1 : i32
      %sub3A_442 = arith.subi %add3A_440, %sub3A_441 : i32
      %get3A_443 = arith.index_cast %sub3A_442 : i32 to index
      %get3A_444 = tpu.vector_load %arg6[%get3A_443] {strides = array<i32>} : memref<16400xi32, #tpu.memory_space<vmem>>, vector<16xi32>,
      %slice3A_445 = vector.extract_strided_slice %get3A_444 {offsets = [0], sizes = [1], strides = [1]} : vector<16xi32> to vector<1xi32>
      %squeeze3A_446 = vector.extract %slice3A_445[0] : i32 from vector<1xi32>
      %lt3A_447 = arith.cmpi slt, %squeeze3A_446, %add3A_316 : i32
      %select_n3A_448 = arith.select %lt3A_447, %add3A_440, %select_n3A_438 : i32
      %add3A_449 = arith.constant 1 : i32
      %add3A_450 = arith.addi %select_n3A_448, %add3A_449 : i32
      %sub3A_451 = arith.constant 1 : i32
      %sub3A_452 = arith.subi %add3A_450, %sub3A_451 : i32
      %get3A_453 = arith.index_cast %sub3A_452 : i32 to index
      %get3A_454 = tpu.vector_load %arg6[%get3A_453] {strides = array<i32>} : memref<16400xi32, #tpu.memory_space<vmem>>, vector<16xi32>,
      %slice3A_455 = vector.extract_strided_slice %get3A_454 {offsets = [0], sizes = [1], strides = [1]} : vector<16xi32> to vector<1xi32>
      %squeeze3A_456 = vector.extract %slice3A_455[0] : i32 from vector<1xi32>
      %lt3A_457 = arith.cmpi slt, %squeeze3A_456, %add3A_316 : i32
      %select_n3A_458 = arith.select %lt3A_457, %add3A_450, %select_n3A_448 : i32
      %add3A_459 = arith.constant 1 : i32
      %add3A_460 = arith.addi %select_n3A_458, %add3A_459 : i32
      %get3A_461 = arith.index_cast %select_n3A_458 : i32 to index
      %get3A_462 = tpu.vector_load %arg6[%get3A_461] {strides = array<i32>} : memref<16400xi32, #tpu.memory_space<vmem>>, vector<16xi32>,
      %slice3A_463 = vector.extract_strided_slice %get3A_462 {offsets = [0], sizes = [1], strides = [1]} : vector<16xi32> to vector<1xi32>
      %squeeze3A_464 = vector.extract %slice3A_463[0] : i32 from vector<1xi32>
      %lt3A_465 = arith.cmpi slt, %squeeze3A_464, %add3A_316 : i32
      %select_n3A_466 = arith.select %lt3A_465, %add3A_460, %select_n3A_458 : i32
      %jit3A_467 = arith.constant 8 : i32
      %div3A = arith.divsi %select_n3A_313, %jit3A_467 : i32
      %sign3A = arith.constant 0 : i32
      %sign3A_468 = arith.cmpi sgt, %select_n3A_313, %sign3A : i32
      %sign3A_469 = arith.extui %sign3A_468 : i1 to i32
      %sign3A_470 = arith.constant 0 : i32
      %sign3A_471 = arith.cmpi slt, %select_n3A_313, %sign3A_470 : i32
      %sign3A_472 = arith.extui %sign3A_471 : i1 to i32
      %sign3A_473 = arith.subi %sign3A_469, %sign3A_472 : i32
      %sign3A_474 = arith.constant 0 : i32
      %sign3A_475 = arith.cmpi sgt, %jit3A_467, %sign3A_474 : i32
      %sign3A_476 = arith.extui %sign3A_475 : i1 to i32
      %sign3A_477 = arith.constant 0 : i32
      %sign3A_478 = arith.cmpi slt, %jit3A_467, %sign3A_477 : i32
      %sign3A_479 = arith.extui %sign3A_478 : i1 to i32
      %sign3A_480 = arith.subi %sign3A_476, %sign3A_479 : i32
      %ne3A = arith.cmpi ne, %sign3A_473, %sign3A_480 : i32
      %rem3A = arith.remsi %select_n3A_313, %jit3A_467 : i32
      %ne3A_481 = arith.constant 0 : i32
      %ne3A_482 = arith.cmpi ne, %rem3A, %ne3A_481 : i32
      %and3A = arith.andi %ne3A, %ne3A_482 : i1
      %sub3A_483 = arith.constant 1 : i32
      %sub3A_484 = arith.subi %div3A, %sub3A_483 : i32
      %select_n3A_485 = arith.select %and3A, %sub3A_484, %div3A : i32
      %mul3A_486 = arith.constant 8 : i32
      %mul3A_487 = arith.muli %select_n3A_485, %mul3A_486 : i32
      %sub3A_488 = arith.subi %select_n3A_466, %mul3A_487 : i32
      %add3A_489 = arith.constant 63 : i32
      %add3A_490 = arith.addi %sub3A_488, %add3A_489 : i32
      %div3A_491 = arith.constant 64 : i32
      %div3A_492 = arith.divsi %add3A_490, %div3A_491 : i32
      %while3A = arith.constant 0 : i32
      %while3A_493 = arith.subi %div3A_492, %while3A : i32
      %while3A_494 = arith.addi %while3A, %while3A_493 : i32
      %while3A_495 = arith.constant 1 : i32
      %while3A_496 = arith.divsi %while3A_493, %while3A_495 : i32
      %while3A_497 = arith.muli %while3A_496, %while3A_495 : i32
      %while3A_498 = arith.addi %while3A, %while3A_497 : i32
      %while3A_499 = arith.constant 1 : i32
      %while3A_500:32 = scf.for %while3A_510 = %while3A to %while3A_498 step %while3A_499 iter_args(%while3A_511 = %broadcast_in_dim3A_99, %while3A_512 = %broadcast_in_dim3A_101, %while3A_513 = %broadcast_in_dim3A_103, %while3A_514 = %broadcast_in_dim3A_105, %while3A_515 = %broadcast_in_dim3A_107, %while3A_516 = %broadcast_in_dim3A_109, %while3A_517 = %broadcast_in_dim3A_111, %while3A_518 = %broadcast_in_dim3A_113, %while3A_519 = %broadcast_in_dim3A_115, %while3A_520 = %broadcast_in_dim3A_117, %while3A_521 = %broadcast_in_dim3A_119, %while3A_522 = %broadcast_in_dim3A_121, %while3A_523 = %broadcast_in_dim3A_123, %while3A_524 = %broadcast_in_dim3A_125, %while3A_525 = %broadcast_in_dim3A_127, %while3A_526 = %broadcast_in_dim3A_129, %while3A_527 = %broadcast_in_dim3A_131, %while3A_528 = %broadcast_in_dim3A_133, %while3A_529 = %broadcast_in_dim3A_135, %while3A_530 = %broadcast_in_dim3A_137, %while3A_531 = %broadcast_in_dim3A_139, %while3A_532 = %broadcast_in_dim3A_141, %while3A_533 = %broadcast_in_dim3A_143, %while3A_534 = %broadcast_in_dim3A_145, %while3A_535 = %broadcast_in_dim3A_147, %while3A_536 = %broadcast_in_dim3A_149, %while3A_537 = %broadcast_in_dim3A_151, %while3A_538 = %broadcast_in_dim3A_153, %while3A_539 = %broadcast_in_dim3A_155, %while3A_540 = %broadcast_in_dim3A_157, %while3A_541 = %broadcast_in_dim3A_159, %while3A_542 = %broadcast_in_dim3A_161) -> (vector<16xf32>, vector<16xf32>, vector<16xf32>, vector<16xf32>, vector<16xf32>, vector<16xf32>, vector<16xf32>, vector<16xf32>, vector<16xf32>, vector<16xf32>, vector<16xf32>, vector<16xf32>, vector<16xf32>, vector<16xf32>, vector<16xf32>, vector<16xf32>, vector<16xf32>, vector<16xf32>, vector<16xf32>, vector<16xf32>, vector<16xf32>, vector<16xf32>, vector<16xf32>, vector<16xf32>, vector<16xf32>, vector<16xf32>, vector<16xf32>, vector<16xf32>, vector<16xf32>, vector<16xf32>, vector<16xf32>, vector<16xf32>)  : i32 {
        %mul3A_543 = arith.constant 64 : i32
        %mul3A_544 = arith.muli %while3A_510, %mul3A_543 : i32
        %add3A_545 = arith.addi %mul3A_487, %mul3A_544 : i32
        %min3A = arith.constant 16320 : i32
        %min3A_546 = arith.minsi %add3A_545, %min3A : i32
        "tpu.region"() ({
          %run_scoped3A = tpu.sem_alloc : memref<!tpu.dma_semaphore, #tpu.memory_space<semaphore_mem>>
          %dma_start3A = arith.constant 0 : i32
          %dma_start3A_714 = tpu.memref_slice %arg2[%min3A_546, %dma_start3A] : memref<16384x512xf32, #tpu.memory_space<hbm>> -> memref<64x512xf32, #tpu.memory_space<hbm>>
          %dma_start3A_715 = arith.constant 0 : i32
          %dma_start3A_716 = tpu.memref_slice %arg2[%min3A_546, %dma_start3A_715] : memref<16384x512xf32, #tpu.memory_space<hbm>> -> memref<64x512xf32, #tpu.memory_space<hbm>>
          tpu.enqueue_dma source(%dma_start3A_716 : memref<64x512xf32, #tpu.memory_space<hbm>>) target(%arg7 : memref<64x512xf32, #tpu.memory_space<vmem>>) target_semaphore(%run_scoped3A : memref<!tpu.dma_semaphore, #tpu.memory_space<semaphore_mem>>)
          %dma_wait3A = arith.constant 0 : i32
          %dma_wait3A_717 = tpu.memref_slice %arg2[%min3A_546, %dma_wait3A] : memref<16384x512xf32, #tpu.memory_space<hbm>> -> memref<64x512xf32, #tpu.memory_space<hbm>>
          %dma_wait3A_718 = arith.constant 0 : i32
          %dma_wait3A_719 = tpu.memref_slice %arg2[%min3A_546, %dma_wait3A_718] : memref<16384x512xf32, #tpu.memory_space<hbm>> -> memref<64x512xf32, #tpu.memory_space<hbm>>
          tpu.wait_dma2 semaphore(%run_scoped3A : memref<!tpu.dma_semaphore, #tpu.memory_space<semaphore_mem>>) src(%dma_wait3A_719 : memref<64x512xf32, #tpu.memory_space<hbm>>) dst(%arg7 : memref<64x512xf32, #tpu.memory_space<vmem>>)
          tpu.yield
        }) : () -> ()
        %scan3A_547 = arith.constant 0 : i32
        %add3A_548 = arith.addi %min3A_546, %scan3A_547 : i32
        %ge3A = arith.cmpi sge, %add3A_548, %add3A_545 : i32
        %ge3A_549 = arith.cmpi sge, %add3A_548, %select_n3A_313 : i32
        %and3A_550 = arith.andi %ge3A, %ge3A_549 : i1
        %lt3A_551 = arith.cmpi slt, %add3A_548, %select_n3A_466 : i32
        %and3A_552 = arith.andi %and3A_550, %lt3A_551 : i1
        %broadcast_in_dim3A_553 = vector.broadcast %scan3A_547 : i32 to vector<16xi32>
        %gather3A = tpu.vector_load_idx %arg7[%broadcast_in_dim3A_553, %add3A_5] : memref<64x512xf32, #tpu.memory_space<vmem>>[vector<16xi32>, vector<16xi32>], vector<16xf32>,
        %jit3A_554 = arith.constant 0.000000e+00 : f32
        %broadcast_in_dim3A_555 = vector.broadcast %jit3A_554 : f32 to vector<16xf32>
        %select_n3A_556 = arith.select %and3A_552, %gather3A, %broadcast_in_dim3A_555 : vector<16xf32>
        %add3A_557 = arith.addf %while3A_511, %select_n3A_556 : vector<16xf32>
        %gather3A_558 = tpu.vector_load_idx %arg7[%broadcast_in_dim3A_553, %add3A_8] : memref<64x512xf32, #tpu.memory_space<vmem>>[vector<16xi32>, vector<16xi32>], vector<16xf32>,
        %jit3A_559 = arith.constant 0.000000e+00 : f32
        %broadcast_in_dim3A_560 = vector.broadcast %jit3A_559 : f32 to vector<16xf32>
        %select_n3A_561 = arith.select %and3A_552, %gather3A_558, %broadcast_in_dim3A_560 : vector<16xf32>
        %add3A_562 = arith.addf %while3A_512, %select_n3A_561 : vector<16xf32>
        %gather3A_563 = tpu.vector_load_idx %arg7[%broadcast_in_dim3A_553, %add3A_11] : memref<64x512xf32, #tpu.memory_space<vmem>>[vector<16xi32>, vector<16xi32>], vector<16xf32>,
        %jit3A_564 = arith.constant 0.000000e+00 : f32
        %broadcast_in_dim3A_565 = vector.broadcast %jit3A_564 : f32 to vector<16xf32>
        %select_n3A_566 = arith.select %and3A_552, %gather3A_563, %broadcast_in_dim3A_565 : vector<16xf32>
        %add3A_567 = arith.addf %while3A_513, %select_n3A_566 : vector<16xf32>
        %gather3A_568 = tpu.vector_load_idx %arg7[%broadcast_in_dim3A_553, %add3A_14] : memref<64x512xf32, #tpu.memory_space<vmem>>[vector<16xi32>, vector<16xi32>], vector<16xf32>,
        %jit3A_569 = arith.constant 0.000000e+00 : f32
        %broadcast_in_dim3A_570 = vector.broadcast %jit3A_569 : f32 to vector<16xf32>
        %select_n3A_571 = arith.select %and3A_552, %gather3A_568, %broadcast_in_dim3A_570 : vector<16xf32>
        %add3A_572 = arith.addf %while3A_514, %select_n3A_571 : vector<16xf32>
        %gather3A_573 = tpu.vector_load_idx %arg7[%broadcast_in_dim3A_553, %add3A_17] : memref<64x512xf32, #tpu.memory_space<vmem>>[vector<16xi32>, vector<16xi32>], vector<16xf32>,
        %jit3A_574 = arith.constant 0.000000e+00 : f32
        %broadcast_in_dim3A_575 = vector.broadcast %jit3A_574 : f32 to vector<16xf32>
        %select_n3A_576 = arith.select %and3A_552, %gather3A_573, %broadcast_in_dim3A_575 : vector<16xf32>
        %add3A_577 = arith.addf %while3A_515, %select_n3A_576 : vector<16xf32>
        %gather3A_578 = tpu.vector_load_idx %arg7[%broadcast_in_dim3A_553, %add3A_20] : memref<64x512xf32, #tpu.memory_space<vmem>>[vector<16xi32>, vector<16xi32>], vector<16xf32>,
        %jit3A_579 = arith.constant 0.000000e+00 : f32
        %broadcast_in_dim3A_580 = vector.broadcast %jit3A_579 : f32 to vector<16xf32>
        %select_n3A_581 = arith.select %and3A_552, %gather3A_578, %broadcast_in_dim3A_580 : vector<16xf32>
        %add3A_582 = arith.addf %while3A_516, %select_n3A_581 : vector<16xf32>
        %gather3A_583 = tpu.vector_load_idx %arg7[%broadcast_in_dim3A_553, %add3A_23] : memref<64x512xf32, #tpu.memory_space<vmem>>[vector<16xi32>, vector<16xi32>], vector<16xf32>,
        %jit3A_584 = arith.constant 0.000000e+00 : f32
        %broadcast_in_dim3A_585 = vector.broadcast %jit3A_584 : f32 to vector<16xf32>
        %select_n3A_586 = arith.select %and3A_552, %gather3A_583, %broadcast_in_dim3A_585 : vector<16xf32>
        %add3A_587 = arith.addf %while3A_517, %select_n3A_586 : vector<16xf32>
        %gather3A_588 = tpu.vector_load_idx %arg7[%broadcast_in_dim3A_553, %add3A_26] : memref<64x512xf32, #tpu.memory_space<vmem>>[vector<16xi32>, vector<16xi32>], vector<16xf32>,
        %jit3A_589 = arith.constant 0.000000e+00 : f32
        %broadcast_in_dim3A_590 = vector.broadcast %jit3A_589 : f32 to vector<16xf32>
        %select_n3A_591 = arith.select %and3A_552, %gather3A_588, %broadcast_in_dim3A_590 : vector<16xf32>
        %add3A_592 = arith.addf %while3A_518, %select_n3A_591 : vector<16xf32>
        %gather3A_593 = tpu.vector_load_idx %arg7[%broadcast_in_dim3A_553, %add3A_29] : memref<64x512xf32, #tpu.memory_space<vmem>>[vector<16xi32>, vector<16xi32>], vector<16xf32>,
        %jit3A_594 = arith.constant 0.000000e+00 : f32
        %broadcast_in_dim3A_595 = vector.broadcast %jit3A_594 : f32 to vector<16xf32>
        %select_n3A_596 = arith.select %and3A_552, %gather3A_593, %broadcast_in_dim3A_595 : vector<16xf32>
        %add3A_597 = arith.addf %while3A_519, %select_n3A_596 : vector<16xf32>
        %gather3A_598 = tpu.vector_load_idx %arg7[%broadcast_in_dim3A_553, %add3A_32] : memref<64x512xf32, #tpu.memory_space<vmem>>[vector<16xi32>, vector<16xi32>], vector<16xf32>,
        %jit3A_599 = arith.constant 0.000000e+00 : f32
        %broadcast_in_dim3A_600 = vector.broadcast %jit3A_599 : f32 to vector<16xf32>
        %select_n3A_601 = arith.select %and3A_552, %gather3A_598, %broadcast_in_dim3A_600 : vector<16xf32>
        %add3A_602 = arith.addf %while3A_520, %select_n3A_601 : vector<16xf32>
        %gather3A_603 = tpu.vector_load_idx %arg7[%broadcast_in_dim3A_553, %add3A_35] : memref<64x512xf32, #tpu.memory_space<vmem>>[vector<16xi32>, vector<16xi32>], vector<16xf32>,
        %jit3A_604 = arith.constant 0.000000e+00 : f32
        %broadcast_in_dim3A_605 = vector.broadcast %jit3A_604 : f32 to vector<16xf32>
        %select_n3A_606 = arith.select %and3A_552, %gather3A_603, %broadcast_in_dim3A_605 : vector<16xf32>
        %add3A_607 = arith.addf %while3A_521, %select_n3A_606 : vector<16xf32>
        %gather3A_608 = tpu.vector_load_idx %arg7[%broadcast_in_dim3A_553, %add3A_38] : memref<64x512xf32, #tpu.memory_space<vmem>>[vector<16xi32>, vector<16xi32>], vector<16xf32>,
        %jit3A_609 = arith.constant 0.000000e+00 : f32
        %broadcast_in_dim3A_610 = vector.broadcast %jit3A_609 : f32 to vector<16xf32>
        %select_n3A_611 = arith.select %and3A_552, %gather3A_608, %broadcast_in_dim3A_610 : vector<16xf32>
        %add3A_612 = arith.addf %while3A_522, %select_n3A_611 : vector<16xf32>
        %gather3A_613 = tpu.vector_load_idx %arg7[%broadcast_in_dim3A_553, %add3A_41] : memref<64x512xf32, #tpu.memory_space<vmem>>[vector<16xi32>, vector<16xi32>], vector<16xf32>,
        %jit3A_614 = arith.constant 0.000000e+00 : f32
        %broadcast_in_dim3A_615 = vector.broadcast %jit3A_614 : f32 to vector<16xf32>
        %select_n3A_616 = arith.select %and3A_552, %gather3A_613, %broadcast_in_dim3A_615 : vector<16xf32>
        %add3A_617 = arith.addf %while3A_523, %select_n3A_616 : vector<16xf32>
        %gather3A_618 = tpu.vector_load_idx %arg7[%broadcast_in_dim3A_553, %add3A_44] : memref<64x512xf32, #tpu.memory_space<vmem>>[vector<16xi32>, vector<16xi32>], vector<16xf32>,
        %jit3A_619 = arith.constant 0.000000e+00 : f32
        %broadcast_in_dim3A_620 = vector.broadcast %jit3A_619 : f32 to vector<16xf32>
        %select_n3A_621 = arith.select %and3A_552, %gather3A_618, %broadcast_in_dim3A_620 : vector<16xf32>
        %add3A_622 = arith.addf %while3A_524, %select_n3A_621 : vector<16xf32>
        %gather3A_623 = tpu.vector_load_idx %arg7[%broadcast_in_dim3A_553, %add3A_47] : memref<64x512xf32, #tpu.memory_space<vmem>>[vector<16xi32>, vector<16xi32>], vector<16xf32>,
        %jit3A_624 = arith.constant 0.000000e+00 : f32
        %broadcast_in_dim3A_625 = vector.broadcast %jit3A_624 : f32 to vector<16xf32>
        %select_n3A_626 = arith.select %and3A_552, %gather3A_623, %broadcast_in_dim3A_625 : vector<16xf32>
        %add3A_627 = arith.addf %while3A_525, %select_n3A_626 : vector<16xf32>
        %gather3A_628 = tpu.vector_load_idx %arg7[%broadcast_in_dim3A_553, %add3A_50] : memref<64x512xf32, #tpu.memory_space<vmem>>[vector<16xi32>, vector<16xi32>], vector<16xf32>,
        %jit3A_629 = arith.constant 0.000000e+00 : f32
        %broadcast_in_dim3A_630 = vector.broadcast %jit3A_629 : f32 to vector<16xf32>
        %select_n3A_631 = arith.select %and3A_552, %gather3A_628, %broadcast_in_dim3A_630 : vector<16xf32>
        %add3A_632 = arith.addf %while3A_526, %select_n3A_631 : vector<16xf32>
        %gather3A_633 = tpu.vector_load_idx %arg7[%broadcast_in_dim3A_553, %add3A_53] : memref<64x512xf32, #tpu.memory_space<vmem>>[vector<16xi32>, vector<16xi32>], vector<16xf32>,
        %jit3A_634 = arith.constant 0.000000e+00 : f32
        %broadcast_in_dim3A_635 = vector.broadcast %jit3A_634 : f32 to vector<16xf32>
        %select_n3A_636 = arith.select %and3A_552, %gather3A_633, %broadcast_in_dim3A_635 : vector<16xf32>
        %add3A_637 = arith.addf %while3A_527, %select_n3A_636 : vector<16xf32>
        %gather3A_638 = tpu.vector_load_idx %arg7[%broadcast_in_dim3A_553, %add3A_56] : memref<64x512xf32, #tpu.memory_space<vmem>>[vector<16xi32>, vector<16xi32>], vector<16xf32>,
        %jit3A_639 = arith.constant 0.000000e+00 : f32
        %broadcast_in_dim3A_640 = vector.broadcast %jit3A_639 : f32 to vector<16xf32>
        %select_n3A_641 = arith.select %and3A_552, %gather3A_638, %broadcast_in_dim3A_640 : vector<16xf32>
        %add3A_642 = arith.addf %while3A_528, %select_n3A_641 : vector<16xf32>
        %gather3A_643 = tpu.vector_load_idx %arg7[%broadcast_in_dim3A_553, %add3A_59] : memref<64x512xf32, #tpu.memory_space<vmem>>[vector<16xi32>, vector<16xi32>], vector<16xf32>,
        %jit3A_644 = arith.constant 0.000000e+00 : f32
        %broadcast_in_dim3A_645 = vector.broadcast %jit3A_644 : f32 to vector<16xf32>
        %select_n3A_646 = arith.select %and3A_552, %gather3A_643, %broadcast_in_dim3A_645 : vector<16xf32>
        %add3A_647 = arith.addf %while3A_529, %select_n3A_646 : vector<16xf32>
        %gather3A_648 = tpu.vector_load_idx %arg7[%broadcast_in_dim3A_553, %add3A_62] : memref<64x512xf32, #tpu.memory_space<vmem>>[vector<16xi32>, vector<16xi32>], vector<16xf32>,
        %jit3A_649 = arith.constant 0.000000e+00 : f32
        %broadcast_in_dim3A_650 = vector.broadcast %jit3A_649 : f32 to vector<16xf32>
        %select_n3A_651 = arith.select %and3A_552, %gather3A_648, %broadcast_in_dim3A_650 : vector<16xf32>
        %add3A_652 = arith.addf %while3A_530, %select_n3A_651 : vector<16xf32>
        %gather3A_653 = tpu.vector_load_idx %arg7[%broadcast_in_dim3A_553, %add3A_65] : memref<64x512xf32, #tpu.memory_space<vmem>>[vector<16xi32>, vector<16xi32>], vector<16xf32>,
        %jit3A_654 = arith.constant 0.000000e+00 : f32
        %broadcast_in_dim3A_655 = vector.broadcast %jit3A_654 : f32 to vector<16xf32>
        %select_n3A_656 = arith.select %and3A_552, %gather3A_653, %broadcast_in_dim3A_655 : vector<16xf32>
        %add3A_657 = arith.addf %while3A_531, %select_n3A_656 : vector<16xf32>
        %gather3A_658 = tpu.vector_load_idx %arg7[%broadcast_in_dim3A_553, %add3A_68] : memref<64x512xf32, #tpu.memory_space<vmem>>[vector<16xi32>, vector<16xi32>], vector<16xf32>,
        %jit3A_659 = arith.constant 0.000000e+00 : f32
        %broadcast_in_dim3A_660 = vector.broadcast %jit3A_659 : f32 to vector<16xf32>
        %select_n3A_661 = arith.select %and3A_552, %gather3A_658, %broadcast_in_dim3A_660 : vector<16xf32>
        %add3A_662 = arith.addf %while3A_532, %select_n3A_661 : vector<16xf32>
        %gather3A_663 = tpu.vector_load_idx %arg7[%broadcast_in_dim3A_553, %add3A_71] : memref<64x512xf32, #tpu.memory_space<vmem>>[vector<16xi32>, vector<16xi32>], vector<16xf32>,
        %jit3A_664 = arith.constant 0.000000e+00 : f32
        %broadcast_in_dim3A_665 = vector.broadcast %jit3A_664 : f32 to vector<16xf32>
        %select_n3A_666 = arith.select %and3A_552, %gather3A_663, %broadcast_in_dim3A_665 : vector<16xf32>
        %add3A_667 = arith.addf %while3A_533, %select_n3A_666 : vector<16xf32>
        %gather3A_668 = tpu.vector_load_idx %arg7[%broadcast_in_dim3A_553, %add3A_74] : memref<64x512xf32, #tpu.memory_space<vmem>>[vector<16xi32>, vector<16xi32>], vector<16xf32>,
        %jit3A_669 = arith.constant 0.000000e+00 : f32
        %broadcast_in_dim3A_670 = vector.broadcast %jit3A_669 : f32 to vector<16xf32>
        %select_n3A_671 = arith.select %and3A_552, %gather3A_668, %broadcast_in_dim3A_670 : vector<16xf32>
        %add3A_672 = arith.addf %while3A_534, %select_n3A_671 : vector<16xf32>
        %gather3A_673 = tpu.vector_load_idx %arg7[%broadcast_in_dim3A_553, %add3A_77] : memref<64x512xf32, #tpu.memory_space<vmem>>[vector<16xi32>, vector<16xi32>], vector<16xf32>,
        %jit3A_674 = arith.constant 0.000000e+00 : f32
        %broadcast_in_dim3A_675 = vector.broadcast %jit3A_674 : f32 to vector<16xf32>
        %select_n3A_676 = arith.select %and3A_552, %gather3A_673, %broadcast_in_dim3A_675 : vector<16xf32>
        %add3A_677 = arith.addf %while3A_535, %select_n3A_676 : vector<16xf32>
        %gather3A_678 = tpu.vector_load_idx %arg7[%broadcast_in_dim3A_553, %add3A_80] : memref<64x512xf32, #tpu.memory_space<vmem>>[vector<16xi32>, vector<16xi32>], vector<16xf32>,
        %jit3A_679 = arith.constant 0.000000e+00 : f32
        %broadcast_in_dim3A_680 = vector.broadcast %jit3A_679 : f32 to vector<16xf32>
        %select_n3A_681 = arith.select %and3A_552, %gather3A_678, %broadcast_in_dim3A_680 : vector<16xf32>
        %add3A_682 = arith.addf %while3A_536, %select_n3A_681 : vector<16xf32>
        %gather3A_683 = tpu.vector_load_idx %arg7[%broadcast_in_dim3A_553, %add3A_83] : memref<64x512xf32, #tpu.memory_space<vmem>>[vector<16xi32>, vector<16xi32>], vector<16xf32>,
        %jit3A_684 = arith.constant 0.000000e+00 : f32
        %broadcast_in_dim3A_685 = vector.broadcast %jit3A_684 : f32 to vector<16xf32>
        %select_n3A_686 = arith.select %and3A_552, %gather3A_683, %broadcast_in_dim3A_685 : vector<16xf32>
        %add3A_687 = arith.addf %while3A_537, %select_n3A_686 : vector<16xf32>
        %gather3A_688 = tpu.vector_load_idx %arg7[%broadcast_in_dim3A_553, %add3A_86] : memref<64x512xf32, #tpu.memory_space<vmem>>[vector<16xi32>, vector<16xi32>], vector<16xf32>,
        %jit3A_689 = arith.constant 0.000000e+00 : f32
        %broadcast_in_dim3A_690 = vector.broadcast %jit3A_689 : f32 to vector<16xf32>
        %select_n3A_691 = arith.select %and3A_552, %gather3A_688, %broadcast_in_dim3A_690 : vector<16xf32>
        %add3A_692 = arith.addf %while3A_538, %select_n3A_691 : vector<16xf32>
        %gather3A_693 = tpu.vector_load_idx %arg7[%broadcast_in_dim3A_553, %add3A_89] : memref<64x512xf32, #tpu.memory_space<vmem>>[vector<16xi32>, vector<16xi32>], vector<16xf32>,
        %jit3A_694 = arith.constant 0.000000e+00 : f32
        %broadcast_in_dim3A_695 = vector.broadcast %jit3A_694 : f32 to vector<16xf32>
        %select_n3A_696 = arith.select %and3A_552, %gather3A_693, %broadcast_in_dim3A_695 : vector<16xf32>
        %add3A_697 = arith.addf %while3A_539, %select_n3A_696 : vector<16xf32>
        %gather3A_698 = tpu.vector_load_idx %arg7[%broadcast_in_dim3A_553, %add3A_92] : memref<64x512xf32, #tpu.memory_space<vmem>>[vector<16xi32>, vector<16xi32>], vector<16xf32>,
        %jit3A_699 = arith.constant 0.000000e+00 : f32
        %broadcast_in_dim3A_700 = vector.broadcast %jit3A_699 : f32 to vector<16xf32>
        %select_n3A_701 = arith.select %and3A_552, %gather3A_698, %broadcast_in_dim3A_700 : vector<16xf32>
        %add3A_702 = arith.addf %while3A_540, %select_n3A_701 : vector<16xf32>
        %gather3A_703 = tpu.vector_load_idx %arg7[%broadcast_in_dim3A_553, %add3A_95] : memref<64x512xf32, #tpu.memory_space<vmem>>[vector<16xi32>, vector<16xi32>], vector<16xf32>,
        %jit3A_704 = arith.constant 0.000000e+00 : f32
        %broadcast_in_dim3A_705 = vector.broadcast %jit3A_704 : f32 to vector<16xf32>
        %select_n3A_706 = arith.select %and3A_552, %gather3A_703, %broadcast_in_dim3A_705 : vector<16xf32>
        %add3A_707 = arith.addf %while3A_541, %select_n3A_706 : vector<16xf32>
        %gather3A_708 = tpu.vector_load_idx %arg7[%broadcast_in_dim3A_553, %add3A_98] : memref<64x512xf32, #tpu.memory_space<vmem>>[vector<16xi32>, vector<16xi32>], vector<16xf32>,
        %jit3A_709 = arith.constant 0.000000e+00 : f32
        %broadcast_in_dim3A_710 = vector.broadcast %jit3A_709 : f32 to vector<16xf32>
        %select_n3A_711 = arith.select %and3A_552, %gather3A_708, %broadcast_in_dim3A_710 : vector<16xf32>
        %add3A_712 = arith.addf %while3A_542, %select_n3A_711 : vector<16xf32>
        %scan3A_713 = arith.constant 1 : i32
        scf.yield %add3A_557, %add3A_562, %add3A_567, %add3A_572, %add3A_577, %add3A_582, %add3A_587, %add3A_592, %add3A_597, %add3A_602, %add3A_607, %add3A_612, %add3A_617, %add3A_622, %add3A_627, %add3A_632, %add3A_637, %add3A_642, %add3A_647, %add3A_652, %add3A_657, %add3A_662, %add3A_667, %add3A_672, %add3A_677, %add3A_682, %add3A_687, %add3A_692, %add3A_697, %add3A_702, %add3A_707, %add3A_712 : vector<16xf32>, vector<16xf32>, vector<16xf32>, vector<16xf32>, vector<16xf32>, vector<16xf32>, vector<16xf32>, vector<16xf32>, vector<16xf32>, vector<16xf32>, vector<16xf32>, vector<16xf32>, vector<16xf32>, vector<16xf32>, vector<16xf32>, vector<16xf32>, vector<16xf32>, vector<16xf32>, vector<16xf32>, vector<16xf32>, vector<16xf32>, vector<16xf32>, vector<16xf32>, vector<16xf32>, vector<16xf32>, vector<16xf32>, vector<16xf32>, vector<16xf32>, vector<16xf32>, vector<16xf32>, vector<16xf32>, vector<16xf32>
      }
      %while3A_501 = arith.constant 1 : i32
      %while3A_502:32 = scf.for %while3A_510 = %while3A_498 to %while3A_494 step %while3A_501 iter_args(%while3A_511 = %while3A_500#0, %while3A_512 = %while3A_500#1, %while3A_513 = %while3A_500#2, %while3A_514 = %while3A_500#3, %while3A_515 = %while3A_500#4, %while3A_516 = %while3A_500#5, %while3A_517 = %while3A_500#6, %while3A_518 = %while3A_500#7, %while3A_519 = %while3A_500#8, %while3A_520 = %while3A_500#9, %while3A_521 = %while3A_500#10, %while3A_522 = %while3A_500#11, %while3A_523 = %while3A_500#12, %while3A_524 = %while3A_500#13, %while3A_525 = %while3A_500#14, %while3A_526 = %while3A_500#15, %while3A_527 = %while3A_500#16, %while3A_528 = %while3A_500#17, %while3A_529 = %while3A_500#18, %while3A_530 = %while3A_500#19, %while3A_531 = %while3A_500#20, %while3A_532 = %while3A_500#21, %while3A_533 = %while3A_500#22, %while3A_534 = %while3A_500#23, %while3A_535 = %while3A_500#24, %while3A_536 = %while3A_500#25, %while3A_537 = %while3A_500#26, %while3A_538 = %while3A_500#27, %while3A_539 = %while3A_500#28, %while3A_540 = %while3A_500#29, %while3A_541 = %while3A_500#30, %while3A_542 = %while3A_500#31) -> (vector<16xf32>, vector<16xf32>, vector<16xf32>, vector<16xf32>, vector<16xf32>, vector<16xf32>, vector<16xf32>, vector<16xf32>, vector<16xf32>, vector<16xf32>, vector<16xf32>, vector<16xf32>, vector<16xf32>, vector<16xf32>, vector<16xf32>, vector<16xf32>, vector<16xf32>, vector<16xf32>, vector<16xf32>, vector<16xf32>, vector<16xf32>, vector<16xf32>, vector<16xf32>, vector<16xf32>, vector<16xf32>, vector<16xf32>, vector<16xf32>, vector<16xf32>, vector<16xf32>, vector<16xf32>, vector<16xf32>, vector<16xf32>)  : i32 {
        %mul3A_543 = arith.constant 64 : i32
        %mul3A_544 = arith.muli %while3A_510, %mul3A_543 : i32
        %add3A_545 = arith.addi %mul3A_487, %mul3A_544 : i32
        %min3A = arith.constant 16320 : i32
        %min3A_546 = arith.minsi %add3A_545, %min3A : i32
        "tpu.region"() ({
          %run_scoped3A = tpu.sem_alloc : memref<!tpu.dma_semaphore, #tpu.memory_space<semaphore_mem>>
          %dma_start3A = arith.constant 0 : i32
          %dma_start3A_714 = tpu.memref_slice %arg2[%min3A_546, %dma_start3A] : memref<16384x512xf32, #tpu.memory_space<hbm>> -> memref<64x512xf32, #tpu.memory_space<hbm>>
          %dma_start3A_715 = arith.constant 0 : i32
          %dma_start3A_716 = tpu.memref_slice %arg2[%min3A_546, %dma_start3A_715] : memref<16384x512xf32, #tpu.memory_space<hbm>> -> memref<64x512xf32, #tpu.memory_space<hbm>>
          tpu.enqueue_dma source(%dma_start3A_716 : memref<64x512xf32, #tpu.memory_space<hbm>>) target(%arg7 : memref<64x512xf32, #tpu.memory_space<vmem>>) target_semaphore(%run_scoped3A : memref<!tpu.dma_semaphore, #tpu.memory_space<semaphore_mem>>)
          %dma_wait3A = arith.constant 0 : i32
          %dma_wait3A_717 = tpu.memref_slice %arg2[%min3A_546, %dma_wait3A] : memref<16384x512xf32, #tpu.memory_space<hbm>> -> memref<64x512xf32, #tpu.memory_space<hbm>>
          %dma_wait3A_718 = arith.constant 0 : i32
          %dma_wait3A_719 = tpu.memref_slice %arg2[%min3A_546, %dma_wait3A_718] : memref<16384x512xf32, #tpu.memory_space<hbm>> -> memref<64x512xf32, #tpu.memory_space<hbm>>
          tpu.wait_dma2 semaphore(%run_scoped3A : memref<!tpu.dma_semaphore, #tpu.memory_space<semaphore_mem>>) src(%dma_wait3A_719 : memref<64x512xf32, #tpu.memory_space<hbm>>) dst(%arg7 : memref<64x512xf32, #tpu.memory_space<vmem>>)
          tpu.yield
        }) : () -> ()
        %scan3A_547 = arith.constant 0 : i32
        %add3A_548 = arith.addi %min3A_546, %scan3A_547 : i32
        %ge3A = arith.cmpi sge, %add3A_548, %add3A_545 : i32
        %ge3A_549 = arith.cmpi sge, %add3A_548, %select_n3A_313 : i32
        %and3A_550 = arith.andi %ge3A, %ge3A_549 : i1
        %lt3A_551 = arith.cmpi slt, %add3A_548, %select_n3A_466 : i32
        %and3A_552 = arith.andi %and3A_550, %lt3A_551 : i1
        %broadcast_in_dim3A_553 = vector.broadcast %scan3A_547 : i32 to vector<16xi32>
        %gather3A = tpu.vector_load_idx %arg7[%broadcast_in_dim3A_553, %add3A_5] : memref<64x512xf32, #tpu.memory_space<vmem>>[vector<16xi32>, vector<16xi32>], vector<16xf32>,
        %jit3A_554 = arith.constant 0.000000e+00 : f32
        %broadcast_in_dim3A_555 = vector.broadcast %jit3A_554 : f32 to vector<16xf32>
        %select_n3A_556 = arith.select %and3A_552, %gather3A, %broadcast_in_dim3A_555 : vector<16xf32>
        %add3A_557 = arith.addf %while3A_511, %select_n3A_556 : vector<16xf32>
        %gather3A_558 = tpu.vector_load_idx %arg7[%broadcast_in_dim3A_553, %add3A_8] : memref<64x512xf32, #tpu.memory_space<vmem>>[vector<16xi32>, vector<16xi32>], vector<16xf32>,
        %jit3A_559 = arith.constant 0.000000e+00 : f32
        %broadcast_in_dim3A_560 = vector.broadcast %jit3A_559 : f32 to vector<16xf32>
        %select_n3A_561 = arith.select %and3A_552, %gather3A_558, %broadcast_in_dim3A_560 : vector<16xf32>
        %add3A_562 = arith.addf %while3A_512, %select_n3A_561 : vector<16xf32>
        %gather3A_563 = tpu.vector_load_idx %arg7[%broadcast_in_dim3A_553, %add3A_11] : memref<64x512xf32, #tpu.memory_space<vmem>>[vector<16xi32>, vector<16xi32>], vector<16xf32>,
        %jit3A_564 = arith.constant 0.000000e+00 : f32
        %broadcast_in_dim3A_565 = vector.broadcast %jit3A_564 : f32 to vector<16xf32>
        %select_n3A_566 = arith.select %and3A_552, %gather3A_563, %broadcast_in_dim3A_565 : vector<16xf32>
        %add3A_567 = arith.addf %while3A_513, %select_n3A_566 : vector<16xf32>
        %gather3A_568 = tpu.vector_load_idx %arg7[%broadcast_in_dim3A_553, %add3A_14] : memref<64x512xf32, #tpu.memory_space<vmem>>[vector<16xi32>, vector<16xi32>], vector<16xf32>,
        %jit3A_569 = arith.constant 0.000000e+00 : f32
        %broadcast_in_dim3A_570 = vector.broadcast %jit3A_569 : f32 to vector<16xf32>
        %select_n3A_571 = arith.select %and3A_552, %gather3A_568, %broadcast_in_dim3A_570 : vector<16xf32>
        %add3A_572 = arith.addf %while3A_514, %select_n3A_571 : vector<16xf32>
        %gather3A_573 = tpu.vector_load_idx %arg7[%broadcast_in_dim3A_553, %add3A_17] : memref<64x512xf32, #tpu.memory_space<vmem>>[vector<16xi32>, vector<16xi32>], vector<16xf32>,
        %jit3A_574 = arith.constant 0.000000e+00 : f32
        %broadcast_in_dim3A_575 = vector.broadcast %jit3A_574 : f32 to vector<16xf32>
        %select_n3A_576 = arith.select %and3A_552, %gather3A_573, %broadcast_in_dim3A_575 : vector<16xf32>
        %add3A_577 = arith.addf %while3A_515, %select_n3A_576 : vector<16xf32>
        %gather3A_578 = tpu.vector_load_idx %arg7[%broadcast_in_dim3A_553, %add3A_20] : memref<64x512xf32, #tpu.memory_space<vmem>>[vector<16xi32>, vector<16xi32>], vector<16xf32>,
        %jit3A_579 = arith.constant 0.000000e+00 : f32
        %broadcast_in_dim3A_580 = vector.broadcast %jit3A_579 : f32 to vector<16xf32>
        %select_n3A_581 = arith.select %and3A_552, %gather3A_578, %broadcast_in_dim3A_580 : vector<16xf32>
        %add3A_582 = arith.addf %while3A_516, %select_n3A_581 : vector<16xf32>
        %gather3A_583 = tpu.vector_load_idx %arg7[%broadcast_in_dim3A_553, %add3A_23] : memref<64x512xf32, #tpu.memory_space<vmem>>[vector<16xi32>, vector<16xi32>], vector<16xf32>,
        %jit3A_584 = arith.constant 0.000000e+00 : f32
        %broadcast_in_dim3A_585 = vector.broadcast %jit3A_584 : f32 to vector<16xf32>
        %select_n3A_586 = arith.select %and3A_552, %gather3A_583, %broadcast_in_dim3A_585 : vector<16xf32>
        %add3A_587 = arith.addf %while3A_517, %select_n3A_586 : vector<16xf32>
        %gather3A_588 = tpu.vector_load_idx %arg7[%broadcast_in_dim3A_553, %add3A_26] : memref<64x512xf32, #tpu.memory_space<vmem>>[vector<16xi32>, vector<16xi32>], vector<16xf32>,
        %jit3A_589 = arith.constant 0.000000e+00 : f32
        %broadcast_in_dim3A_590 = vector.broadcast %jit3A_589 : f32 to vector<16xf32>
        %select_n3A_591 = arith.select %and3A_552, %gather3A_588, %broadcast_in_dim3A_590 : vector<16xf32>
        %add3A_592 = arith.addf %while3A_518, %select_n3A_591 : vector<16xf32>
        %gather3A_593 = tpu.vector_load_idx %arg7[%broadcast_in_dim3A_553, %add3A_29] : memref<64x512xf32, #tpu.memory_space<vmem>>[vector<16xi32>, vector<16xi32>], vector<16xf32>,
        %jit3A_594 = arith.constant 0.000000e+00 : f32
        %broadcast_in_dim3A_595 = vector.broadcast %jit3A_594 : f32 to vector<16xf32>
        %select_n3A_596 = arith.select %and3A_552, %gather3A_593, %broadcast_in_dim3A_595 : vector<16xf32>
        %add3A_597 = arith.addf %while3A_519, %select_n3A_596 : vector<16xf32>
        %gather3A_598 = tpu.vector_load_idx %arg7[%broadcast_in_dim3A_553, %add3A_32] : memref<64x512xf32, #tpu.memory_space<vmem>>[vector<16xi32>, vector<16xi32>], vector<16xf32>,
        %jit3A_599 = arith.constant 0.000000e+00 : f32
        %broadcast_in_dim3A_600 = vector.broadcast %jit3A_599 : f32 to vector<16xf32>
        %select_n3A_601 = arith.select %and3A_552, %gather3A_598, %broadcast_in_dim3A_600 : vector<16xf32>
        %add3A_602 = arith.addf %while3A_520, %select_n3A_601 : vector<16xf32>
        %gather3A_603 = tpu.vector_load_idx %arg7[%broadcast_in_dim3A_553, %add3A_35] : memref<64x512xf32, #tpu.memory_space<vmem>>[vector<16xi32>, vector<16xi32>], vector<16xf32>,
        %jit3A_604 = arith.constant 0.000000e+00 : f32
        %broadcast_in_dim3A_605 = vector.broadcast %jit3A_604 : f32 to vector<16xf32>
        %select_n3A_606 = arith.select %and3A_552, %gather3A_603, %broadcast_in_dim3A_605 : vector<16xf32>
        %add3A_607 = arith.addf %while3A_521, %select_n3A_606 : vector<16xf32>
        %gather3A_608 = tpu.vector_load_idx %arg7[%broadcast_in_dim3A_553, %add3A_38] : memref<64x512xf32, #tpu.memory_space<vmem>>[vector<16xi32>, vector<16xi32>], vector<16xf32>,
        %jit3A_609 = arith.constant 0.000000e+00 : f32
        %broadcast_in_dim3A_610 = vector.broadcast %jit3A_609 : f32 to vector<16xf32>
        %select_n3A_611 = arith.select %and3A_552, %gather3A_608, %broadcast_in_dim3A_610 : vector<16xf32>
        %add3A_612 = arith.addf %while3A_522, %select_n3A_611 : vector<16xf32>
        %gather3A_613 = tpu.vector_load_idx %arg7[%broadcast_in_dim3A_553, %add3A_41] : memref<64x512xf32, #tpu.memory_space<vmem>>[vector<16xi32>, vector<16xi32>], vector<16xf32>,
        %jit3A_614 = arith.constant 0.000000e+00 : f32
        %broadcast_in_dim3A_615 = vector.broadcast %jit3A_614 : f32 to vector<16xf32>
        %select_n3A_616 = arith.select %and3A_552, %gather3A_613, %broadcast_in_dim3A_615 : vector<16xf32>
        %add3A_617 = arith.addf %while3A_523, %select_n3A_616 : vector<16xf32>
        %gather3A_618 = tpu.vector_load_idx %arg7[%broadcast_in_dim3A_553, %add3A_44] : memref<64x512xf32, #tpu.memory_space<vmem>>[vector<16xi32>, vector<16xi32>], vector<16xf32>,
        %jit3A_619 = arith.constant 0.000000e+00 : f32
        %broadcast_in_dim3A_620 = vector.broadcast %jit3A_619 : f32 to vector<16xf32>
        %select_n3A_621 = arith.select %and3A_552, %gather3A_618, %broadcast_in_dim3A_620 : vector<16xf32>
        %add3A_622 = arith.addf %while3A_524, %select_n3A_621 : vector<16xf32>
        %gather3A_623 = tpu.vector_load_idx %arg7[%broadcast_in_dim3A_553, %add3A_47] : memref<64x512xf32, #tpu.memory_space<vmem>>[vector<16xi32>, vector<16xi32>], vector<16xf32>,
        %jit3A_624 = arith.constant 0.000000e+00 : f32
        %broadcast_in_dim3A_625 = vector.broadcast %jit3A_624 : f32 to vector<16xf32>
        %select_n3A_626 = arith.select %and3A_552, %gather3A_623, %broadcast_in_dim3A_625 : vector<16xf32>
        %add3A_627 = arith.addf %while3A_525, %select_n3A_626 : vector<16xf32>
        %gather3A_628 = tpu.vector_load_idx %arg7[%broadcast_in_dim3A_553, %add3A_50] : memref<64x512xf32, #tpu.memory_space<vmem>>[vector<16xi32>, vector<16xi32>], vector<16xf32>,
        %jit3A_629 = arith.constant 0.000000e+00 : f32
        %broadcast_in_dim3A_630 = vector.broadcast %jit3A_629 : f32 to vector<16xf32>
        %select_n3A_631 = arith.select %and3A_552, %gather3A_628, %broadcast_in_dim3A_630 : vector<16xf32>
        %add3A_632 = arith.addf %while3A_526, %select_n3A_631 : vector<16xf32>
        %gather3A_633 = tpu.vector_load_idx %arg7[%broadcast_in_dim3A_553, %add3A_53] : memref<64x512xf32, #tpu.memory_space<vmem>>[vector<16xi32>, vector<16xi32>], vector<16xf32>,
        %jit3A_634 = arith.constant 0.000000e+00 : f32
        %broadcast_in_dim3A_635 = vector.broadcast %jit3A_634 : f32 to vector<16xf32>
        %select_n3A_636 = arith.select %and3A_552, %gather3A_633, %broadcast_in_dim3A_635 : vector<16xf32>
        %add3A_637 = arith.addf %while3A_527, %select_n3A_636 : vector<16xf32>
        %gather3A_638 = tpu.vector_load_idx %arg7[%broadcast_in_dim3A_553, %add3A_56] : memref<64x512xf32, #tpu.memory_space<vmem>>[vector<16xi32>, vector<16xi32>], vector<16xf32>,
        %jit3A_639 = arith.constant 0.000000e+00 : f32
        %broadcast_in_dim3A_640 = vector.broadcast %jit3A_639 : f32 to vector<16xf32>
        %select_n3A_641 = arith.select %and3A_552, %gather3A_638, %broadcast_in_dim3A_640 : vector<16xf32>
        %add3A_642 = arith.addf %while3A_528, %select_n3A_641 : vector<16xf32>
        %gather3A_643 = tpu.vector_load_idx %arg7[%broadcast_in_dim3A_553, %add3A_59] : memref<64x512xf32, #tpu.memory_space<vmem>>[vector<16xi32>, vector<16xi32>], vector<16xf32>,
        %jit3A_644 = arith.constant 0.000000e+00 : f32
        %broadcast_in_dim3A_645 = vector.broadcast %jit3A_644 : f32 to vector<16xf32>
        %select_n3A_646 = arith.select %and3A_552, %gather3A_643, %broadcast_in_dim3A_645 : vector<16xf32>
        %add3A_647 = arith.addf %while3A_529, %select_n3A_646 : vector<16xf32>
        %gather3A_648 = tpu.vector_load_idx %arg7[%broadcast_in_dim3A_553, %add3A_62] : memref<64x512xf32, #tpu.memory_space<vmem>>[vector<16xi32>, vector<16xi32>], vector<16xf32>,
        %jit3A_649 = arith.constant 0.000000e+00 : f32
        %broadcast_in_dim3A_650 = vector.broadcast %jit3A_649 : f32 to vector<16xf32>
        %select_n3A_651 = arith.select %and3A_552, %gather3A_648, %broadcast_in_dim3A_650 : vector<16xf32>
        %add3A_652 = arith.addf %while3A_530, %select_n3A_651 : vector<16xf32>
        %gather3A_653 = tpu.vector_load_idx %arg7[%broadcast_in_dim3A_553, %add3A_65] : memref<64x512xf32, #tpu.memory_space<vmem>>[vector<16xi32>, vector<16xi32>], vector<16xf32>,
        %jit3A_654 = arith.constant 0.000000e+00 : f32
        %broadcast_in_dim3A_655 = vector.broadcast %jit3A_654 : f32 to vector<16xf32>
        %select_n3A_656 = arith.select %and3A_552, %gather3A_653, %broadcast_in_dim3A_655 : vector<16xf32>
        %add3A_657 = arith.addf %while3A_531, %select_n3A_656 : vector<16xf32>
        %gather3A_658 = tpu.vector_load_idx %arg7[%broadcast_in_dim3A_553, %add3A_68] : memref<64x512xf32, #tpu.memory_space<vmem>>[vector<16xi32>, vector<16xi32>], vector<16xf32>,
        %jit3A_659 = arith.constant 0.000000e+00 : f32
        %broadcast_in_dim3A_660 = vector.broadcast %jit3A_659 : f32 to vector<16xf32>
        %select_n3A_661 = arith.select %and3A_552, %gather3A_658, %broadcast_in_dim3A_660 : vector<16xf32>
        %add3A_662 = arith.addf %while3A_532, %select_n3A_661 : vector<16xf32>
        %gather3A_663 = tpu.vector_load_idx %arg7[%broadcast_in_dim3A_553, %add3A_71] : memref<64x512xf32, #tpu.memory_space<vmem>>[vector<16xi32>, vector<16xi32>], vector<16xf32>,
        %jit3A_664 = arith.constant 0.000000e+00 : f32
        %broadcast_in_dim3A_665 = vector.broadcast %jit3A_664 : f32 to vector<16xf32>
        %select_n3A_666 = arith.select %and3A_552, %gather3A_663, %broadcast_in_dim3A_665 : vector<16xf32>
        %add3A_667 = arith.addf %while3A_533, %select_n3A_666 : vector<16xf32>
        %gather3A_668 = tpu.vector_load_idx %arg7[%broadcast_in_dim3A_553, %add3A_74] : memref<64x512xf32, #tpu.memory_space<vmem>>[vector<16xi32>, vector<16xi32>], vector<16xf32>,
        %jit3A_669 = arith.constant 0.000000e+00 : f32
        %broadcast_in_dim3A_670 = vector.broadcast %jit3A_669 : f32 to vector<16xf32>
        %select_n3A_671 = arith.select %and3A_552, %gather3A_668, %broadcast_in_dim3A_670 : vector<16xf32>
        %add3A_672 = arith.addf %while3A_534, %select_n3A_671 : vector<16xf32>
        %gather3A_673 = tpu.vector_load_idx %arg7[%broadcast_in_dim3A_553, %add3A_77] : memref<64x512xf32, #tpu.memory_space<vmem>>[vector<16xi32>, vector<16xi32>], vector<16xf32>,
        %jit3A_674 = arith.constant 0.000000e+00 : f32
        %broadcast_in_dim3A_675 = vector.broadcast %jit3A_674 : f32 to vector<16xf32>
        %select_n3A_676 = arith.select %and3A_552, %gather3A_673, %broadcast_in_dim3A_675 : vector<16xf32>
        %add3A_677 = arith.addf %while3A_535, %select_n3A_676 : vector<16xf32>
        %gather3A_678 = tpu.vector_load_idx %arg7[%broadcast_in_dim3A_553, %add3A_80] : memref<64x512xf32, #tpu.memory_space<vmem>>[vector<16xi32>, vector<16xi32>], vector<16xf32>,
        %jit3A_679 = arith.constant 0.000000e+00 : f32
        %broadcast_in_dim3A_680 = vector.broadcast %jit3A_679 : f32 to vector<16xf32>
        %select_n3A_681 = arith.select %and3A_552, %gather3A_678, %broadcast_in_dim3A_680 : vector<16xf32>
        %add3A_682 = arith.addf %while3A_536, %select_n3A_681 : vector<16xf32>
        %gather3A_683 = tpu.vector_load_idx %arg7[%broadcast_in_dim3A_553, %add3A_83] : memref<64x512xf32, #tpu.memory_space<vmem>>[vector<16xi32>, vector<16xi32>], vector<16xf32>,
        %jit3A_684 = arith.constant 0.000000e+00 : f32
        %broadcast_in_dim3A_685 = vector.broadcast %jit3A_684 : f32 to vector<16xf32>
        %select_n3A_686 = arith.select %and3A_552, %gather3A_683, %broadcast_in_dim3A_685 : vector<16xf32>
        %add3A_687 = arith.addf %while3A_537, %select_n3A_686 : vector<16xf32>
        %gather3A_688 = tpu.vector_load_idx %arg7[%broadcast_in_dim3A_553, %add3A_86] : memref<64x512xf32, #tpu.memory_space<vmem>>[vector<16xi32>, vector<16xi32>], vector<16xf32>,
        %jit3A_689 = arith.constant 0.000000e+00 : f32
        %broadcast_in_dim3A_690 = vector.broadcast %jit3A_689 : f32 to vector<16xf32>
        %select_n3A_691 = arith.select %and3A_552, %gather3A_688, %broadcast_in_dim3A_690 : vector<16xf32>
        %add3A_692 = arith.addf %while3A_538, %select_n3A_691 : vector<16xf32>
        %gather3A_693 = tpu.vector_load_idx %arg7[%broadcast_in_dim3A_553, %add3A_89] : memref<64x512xf32, #tpu.memory_space<vmem>>[vector<16xi32>, vector<16xi32>], vector<16xf32>,
        %jit3A_694 = arith.constant 0.000000e+00 : f32
        %broadcast_in_dim3A_695 = vector.broadcast %jit3A_694 : f32 to vector<16xf32>
        %select_n3A_696 = arith.select %and3A_552, %gather3A_693, %broadcast_in_dim3A_695 : vector<16xf32>
        %add3A_697 = arith.addf %while3A_539, %select_n3A_696 : vector<16xf32>
        %gather3A_698 = tpu.vector_load_idx %arg7[%broadcast_in_dim3A_553, %add3A_92] : memref<64x512xf32, #tpu.memory_space<vmem>>[vector<16xi32>, vector<16xi32>], vector<16xf32>,
        %jit3A_699 = arith.constant 0.000000e+00 : f32
        %broadcast_in_dim3A_700 = vector.broadcast %jit3A_699 : f32 to vector<16xf32>
        %select_n3A_701 = arith.select %and3A_552, %gather3A_698, %broadcast_in_dim3A_700 : vector<16xf32>
        %add3A_702 = arith.addf %while3A_540, %select_n3A_701 : vector<16xf32>
        %gather3A_703 = tpu.vector_load_idx %arg7[%broadcast_in_dim3A_553, %add3A_95] : memref<64x512xf32, #tpu.memory_space<vmem>>[vector<16xi32>, vector<16xi32>], vector<16xf32>,
        %jit3A_704 = arith.constant 0.000000e+00 : f32
        %broadcast_in_dim3A_705 = vector.broadcast %jit3A_704 : f32 to vector<16xf32>
        %select_n3A_706 = arith.select %and3A_552, %gather3A_703, %broadcast_in_dim3A_705 : vector<16xf32>
        %add3A_707 = arith.addf %while3A_541, %select_n3A_706 : vector<16xf32>
        %gather3A_708 = tpu.vector_load_idx %arg7[%broadcast_in_dim3A_553, %add3A_98] : memref<64x512xf32, #tpu.memory_space<vmem>>[vector<16xi32>, vector<16xi32>], vector<16xf32>,
        %jit3A_709 = arith.constant 0.000000e+00 : f32
        %broadcast_in_dim3A_710 = vector.broadcast %jit3A_709 : f32 to vector<16xf32>
        %select_n3A_711 = arith.select %and3A_552, %gather3A_708, %broadcast_in_dim3A_710 : vector<16xf32>
        %add3A_712 = arith.addf %while3A_542, %select_n3A_711 : vector<16xf32>
        %scan3A_713 = arith.constant 1 : i32
        scf.yield %add3A_557, %add3A_562, %add3A_567, %add3A_572, %add3A_577, %add3A_582, %add3A_587, %add3A_592, %add3A_597, %add3A_602, %add3A_607, %add3A_612, %add3A_617, %add3A_622, %add3A_627, %add3A_632, %add3A_637, %add3A_642, %add3A_647, %add3A_652, %add3A_657, %add3A_662, %add3A_667, %add3A_672, %add3A_677, %add3A_682, %add3A_687, %add3A_692, %add3A_697, %add3A_702, %add3A_707, %add3A_712 : vector<16xf32>, vector<16xf32>, vector<16xf32>, vector<16xf32>, vector<16xf32>, vector<16xf32>, vector<16xf32>, vector<16xf32>, vector<16xf32>, vector<16xf32>, vector<16xf32>, vector<16xf32>, vector<16xf32>, vector<16xf32>, vector<16xf32>, vector<16xf32>, vector<16xf32>, vector<16xf32>, vector<16xf32>, vector<16xf32>, vector<16xf32>, vector<16xf32>, vector<16xf32>, vector<16xf32>, vector<16xf32>, vector<16xf32>, vector<16xf32>, vector<16xf32>, vector<16xf32>, vector<16xf32>, vector<16xf32>, vector<16xf32>
      }
      %broadcast_in_dim3A_503 = vector.broadcast %scan3A_168 : i32 to vector<16xi32>
      tpu.vector_store_idx %arg8[%broadcast_in_dim3A_503, %add3A_5], %while3A_502#0 : memref<8x512xf32, #tpu.memory_space<vmem>>[vector<16xi32>, vector<16xi32>], vector<16xf32>,
      tpu.vector_store_idx %arg8[%broadcast_in_dim3A_503, %add3A_8], %while3A_502#1 : memref<8x512xf32, #tpu.memory_space<vmem>>[vector<16xi32>, vector<16xi32>], vector<16xf32>,
      tpu.vector_store_idx %arg8[%broadcast_in_dim3A_503, %add3A_11], %while3A_502#2 : memref<8x512xf32, #tpu.memory_space<vmem>>[vector<16xi32>, vector<16xi32>], vector<16xf32>,
      tpu.vector_store_idx %arg8[%broadcast_in_dim3A_503, %add3A_14], %while3A_502#3 : memref<8x512xf32, #tpu.memory_space<vmem>>[vector<16xi32>, vector<16xi32>], vector<16xf32>,
      tpu.vector_store_idx %arg8[%broadcast_in_dim3A_503, %add3A_17], %while3A_502#4 : memref<8x512xf32, #tpu.memory_space<vmem>>[vector<16xi32>, vector<16xi32>], vector<16xf32>,
      tpu.vector_store_idx %arg8[%broadcast_in_dim3A_503, %add3A_20], %while3A_502#5 : memref<8x512xf32, #tpu.memory_space<vmem>>[vector<16xi32>, vector<16xi32>], vector<16xf32>,
      tpu.vector_store_idx %arg8[%broadcast_in_dim3A_503, %add3A_23], %while3A_502#6 : memref<8x512xf32, #tpu.memory_space<vmem>>[vector<16xi32>, vector<16xi32>], vector<16xf32>,
      tpu.vector_store_idx %arg8[%broadcast_in_dim3A_503, %add3A_26], %while3A_502#7 : memref<8x512xf32, #tpu.memory_space<vmem>>[vector<16xi32>, vector<16xi32>], vector<16xf32>,
      tpu.vector_store_idx %arg8[%broadcast_in_dim3A_503, %add3A_29], %while3A_502#8 : memref<8x512xf32, #tpu.memory_space<vmem>>[vector<16xi32>, vector<16xi32>], vector<16xf32>,
      tpu.vector_store_idx %arg8[%broadcast_in_dim3A_503, %add3A_32], %while3A_502#9 : memref<8x512xf32, #tpu.memory_space<vmem>>[vector<16xi32>, vector<16xi32>], vector<16xf32>,
      tpu.vector_store_idx %arg8[%broadcast_in_dim3A_503, %add3A_35], %while3A_502#10 : memref<8x512xf32, #tpu.memory_space<vmem>>[vector<16xi32>, vector<16xi32>], vector<16xf32>,
      tpu.vector_store_idx %arg8[%broadcast_in_dim3A_503, %add3A_38], %while3A_502#11 : memref<8x512xf32, #tpu.memory_space<vmem>>[vector<16xi32>, vector<16xi32>], vector<16xf32>,
      tpu.vector_store_idx %arg8[%broadcast_in_dim3A_503, %add3A_41], %while3A_502#12 : memref<8x512xf32, #tpu.memory_space<vmem>>[vector<16xi32>, vector<16xi32>], vector<16xf32>,
      tpu.vector_store_idx %arg8[%broadcast_in_dim3A_503, %add3A_44], %while3A_502#13 : memref<8x512xf32, #tpu.memory_space<vmem>>[vector<16xi32>, vector<16xi32>], vector<16xf32>,
      tpu.vector_store_idx %arg8[%broadcast_in_dim3A_503, %add3A_47], %while3A_502#14 : memref<8x512xf32, #tpu.memory_space<vmem>>[vector<16xi32>, vector<16xi32>], vector<16xf32>,
      tpu.vector_store_idx %arg8[%broadcast_in_dim3A_503, %add3A_50], %while3A_502#15 : memref<8x512xf32, #tpu.memory_space<vmem>>[vector<16xi32>, vector<16xi32>], vector<16xf32>,
      tpu.vector_store_idx %arg8[%broadcast_in_dim3A_503, %add3A_53], %while3A_502#16 : memref<8x512xf32, #tpu.memory_space<vmem>>[vector<16xi32>, vector<16xi32>], vector<16xf32>,
      tpu.vector_store_idx %arg8[%broadcast_in_dim3A_503, %add3A_56], %while3A_502#17 : memref<8x512xf32, #tpu.memory_space<vmem>>[vector<16xi32>, vector<16xi32>], vector<16xf32>,
      tpu.vector_store_idx %arg8[%broadcast_in_dim3A_503, %add3A_59], %while3A_502#18 : memref<8x512xf32, #tpu.memory_space<vmem>>[vector<16xi32>, vector<16xi32>], vector<16xf32>,
      tpu.vector_store_idx %arg8[%broadcast_in_dim3A_503, %add3A_62], %while3A_502#19 : memref<8x512xf32, #tpu.memory_space<vmem>>[vector<16xi32>, vector<16xi32>], vector<16xf32>,
      tpu.vector_store_idx %arg8[%broadcast_in_dim3A_503, %add3A_65], %while3A_502#20 : memref<8x512xf32, #tpu.memory_space<vmem>>[vector<16xi32>, vector<16xi32>], vector<16xf32>,
      tpu.vector_store_idx %arg8[%broadcast_in_dim3A_503, %add3A_68], %while3A_502#21 : memref<8x512xf32, #tpu.memory_space<vmem>>[vector<16xi32>, vector<16xi32>], vector<16xf32>,
      tpu.vector_store_idx %arg8[%broadcast_in_dim3A_503, %add3A_71], %while3A_502#22 : memref<8x512xf32, #tpu.memory_space<vmem>>[vector<16xi32>, vector<16xi32>], vector<16xf32>,
      tpu.vector_store_idx %arg8[%broadcast_in_dim3A_503, %add3A_74], %while3A_502#23 : memref<8x512xf32, #tpu.memory_space<vmem>>[vector<16xi32>, vector<16xi32>], vector<16xf32>,
      tpu.vector_store_idx %arg8[%broadcast_in_dim3A_503, %add3A_77], %while3A_502#24 : memref<8x512xf32, #tpu.memory_space<vmem>>[vector<16xi32>, vector<16xi32>], vector<16xf32>,
      tpu.vector_store_idx %arg8[%broadcast_in_dim3A_503, %add3A_80], %while3A_502#25 : memref<8x512xf32, #tpu.memory_space<vmem>>[vector<16xi32>, vector<16xi32>], vector<16xf32>,
      tpu.vector_store_idx %arg8[%broadcast_in_dim3A_503, %add3A_83], %while3A_502#26 : memref<8x512xf32, #tpu.memory_space<vmem>>[vector<16xi32>, vector<16xi32>], vector<16xf32>,
      tpu.vector_store_idx %arg8[%broadcast_in_dim3A_503, %add3A_86], %while3A_502#27 : memref<8x512xf32, #tpu.memory_space<vmem>>[vector<16xi32>, vector<16xi32>], vector<16xf32>,
      tpu.vector_store_idx %arg8[%broadcast_in_dim3A_503, %add3A_89], %while3A_502#28 : memref<8x512xf32, #tpu.memory_space<vmem>>[vector<16xi32>, vector<16xi32>], vector<16xf32>,
      tpu.vector_store_idx %arg8[%broadcast_in_dim3A_503, %add3A_92], %while3A_502#29 : memref<8x512xf32, #tpu.memory_space<vmem>>[vector<16xi32>, vector<16xi32>], vector<16xf32>,
      tpu.vector_store_idx %arg8[%broadcast_in_dim3A_503, %add3A_95], %while3A_502#30 : memref<8x512xf32, #tpu.memory_space<vmem>>[vector<16xi32>, vector<16xi32>], vector<16xf32>,
      tpu.vector_store_idx %arg8[%broadcast_in_dim3A_503, %add3A_98], %while3A_502#31 : memref<8x512xf32, #tpu.memory_space<vmem>>[vector<16xi32>, vector<16xi32>], vector<16xf32>,
      %broadcast_in_dim3A_504 = arith.constant 1.000000e+00 : f32
      %broadcast_in_dim3A_505 = vector.broadcast %broadcast_in_dim3A_504 : f32 to vector<16xf32>
      %sub3A_506 = arith.subi %select_n3A_466, %select_n3A_313 : i32
      %convert_element_type3A = arith.sitofp %sub3A_506 : i32 to f32
      %mul3A_507 = vector.broadcast %convert_element_type3A : f32 to vector<16xf32>
      %mul3A_508 = arith.mulf %broadcast_in_dim3A_505, %mul3A_507 : vector<16xf32>
      tpu.vector_store_idx %arg9[%broadcast_in_dim3A_503, %iota3A], %mul3A_508 : memref<8x16xf32, #tpu.memory_space<vmem>>[vector<16xi32>, vector<16xi32>], vector<16xf32>,
      %scan3A_509 = arith.constant 0 : i32
      scf.yield %scan3A_509 : i32
    }
    %scan3A_167 = arith.constant 8 : i32
    "tpu.region"() ({
      %run_scoped3A = tpu.sem_alloc : memref<!tpu.dma_semaphore, #tpu.memory_space<semaphore_mem>>
      %dma_start3A = arith.constant 0 : i32
      %dma_start3A_168 = tpu.memref_slice %arg4[%mul3A_2, %dma_start3A] : memref<256x512xf32, #tpu.memory_space<hbm>> -> memref<8x512xf32, #tpu.memory_space<hbm>>
      %dma_start3A_169 = arith.constant 0 : i32
      %dma_start3A_170 = tpu.memref_slice %arg4[%mul3A_2, %dma_start3A_169] : memref<256x512xf32, #tpu.memory_space<hbm>> -> memref<8x512xf32, #tpu.memory_space<hbm>>
      tpu.enqueue_dma source(%arg8 : memref<8x512xf32, #tpu.memory_space<vmem>>) target(%dma_start3A_170 : memref<8x512xf32, #tpu.memory_space<hbm>>) target_semaphore(%run_scoped3A : memref<!tpu.dma_semaphore, #tpu.memory_space<semaphore_mem>>)
      %dma_wait3A = arith.constant 0 : i32
      %dma_wait3A_171 = tpu.memref_slice %arg4[%mul3A_2, %dma_wait3A] : memref<256x512xf32, #tpu.memory_space<hbm>> -> memref<8x512xf32, #tpu.memory_space<hbm>>
      %dma_wait3A_172 = arith.constant 0 : i32
      %dma_wait3A_173 = tpu.memref_slice %arg4[%mul3A_2, %dma_wait3A_172] : memref<256x512xf32, #tpu.memory_space<hbm>> -> memref<8x512xf32, #tpu.memory_space<hbm>>
      tpu.wait_dma2 semaphore(%run_scoped3A : memref<!tpu.dma_semaphore, #tpu.memory_space<semaphore_mem>>) src(%arg8 : memref<8x512xf32, #tpu.memory_space<vmem>>) dst(%dma_wait3A_173 : memref<8x512xf32, #tpu.memory_space<hbm>>)
      tpu.yield
    }) : () -> ()
    "tpu.region"() ({
      %run_scoped3A = tpu.sem_alloc : memref<!tpu.dma_semaphore, #tpu.memory_space<semaphore_mem>>
      %dma_start3A = arith.constant 0 : i32
      %dma_start3A_168 = tpu.memref_slice %arg5[%mul3A_2, %dma_start3A] : memref<256x16xf32, #tpu.memory_space<hbm>> -> memref<8x16xf32, #tpu.memory_space<hbm>>
      %dma_start3A_169 = arith.constant 0 : i32
      %dma_start3A_170 = tpu.memref_slice %arg5[%mul3A_2, %dma_start3A_169] : memref<256x16xf32, #tpu.memory_space<hbm>> -> memref<8x16xf32, #tpu.memory_space<hbm>>
      tpu.enqueue_dma source(%arg9 : memref<8x16xf32, #tpu.memory_space<vmem>>) target(%dma_start3A_170 : memref<8x16xf32, #tpu.memory_space<hbm>>) target_semaphore(%run_scoped3A : memref<!tpu.dma_semaphore, #tpu.memory_space<semaphore_mem>>)
      %dma_wait3A = arith.constant 0 : i32
      %dma_wait3A_171 = tpu.memref_slice %arg5[%mul3A_2, %dma_wait3A] : memref<256x16xf32, #tpu.memory_space<hbm>> -> memref<8x16xf32, #tpu.memory_space<hbm>>
      %dma_wait3A_172 = arith.constant 0 : i32
      %dma_wait3A_173 = tpu.memref_slice %arg5[%mul3A_2, %dma_wait3A_172] : memref<256x16xf32, #tpu.memory_space<hbm>> -> memref<8x16xf32, #tpu.memory_space<hbm>>
      tpu.wait_dma2 semaphore(%run_scoped3A : memref<!tpu.dma_semaphore, #tpu.memory_space<semaphore_mem>>) src(%arg9 : memref<8x16xf32, #tpu.memory_space<vmem>>) dst(%dma_wait3A_173 : memref<8x16xf32, #tpu.memory_space<hbm>>)
      tpu.yield
    }) : () -> ()
    return
  }
}

module attributes {stable_mosaic.version = 14 : i64} {
  func.func @_dist_kernel(%arg0: i32, %arg1: memref<256x512xf32, #tpu.memory_space<vmem>>, %arg2: memref<256x16xf32, #tpu.memory_space<vmem>>, %arg3: memref<4096x512xf32, #tpu.memory_space<vmem>>, %arg4: memref<4096x256xf32, #tpu.memory_space<vmem>>, %arg5: memref<512x256xbf16, #tpu.memory_space<vmem>>, %arg6: memref<1x256xf32, #tpu.memory_space<vmem>>) attributes {dimension_semantics = [#tpu.dimension_semantics<arbitrary>], iteration_bounds = array<i64: 4>, scalar_prefetch = 0 : i64, scratch_operands = 2 : i64, tpu.core_type = #tpu.core_type<tc>, window_params = [{pipeline_mode = #tpu.pipeline_mode<synchronous>, transform_indices = @transform_0, window_bounds = array<i64: 256, 512>}, {pipeline_mode = #tpu.pipeline_mode<synchronous>, transform_indices = @transform_1, window_bounds = array<i64: 256, 16>}, {transform_indices = @transform_2, window_bounds = array<i64: 4096, 512>}, {transform_indices = @transform_3, window_bounds = array<i64: 4096, 256>}]} {
    %eq3A = arith.constant 0 : i32
    %eq3A_0 = arith.cmpi eq, %arg0, %eq3A : i32
    %convert_element_type3A = arith.extui %eq3A_0 : i1 to i32
    %cond3A = arith.constant 0 : i32
    %cond3A_1 = arith.cmpi ne, %convert_element_type3A, %cond3A : i32
    scf.if %cond3A_1 {
      %get3A_24 = arith.constant 0 : index
      %get3A_25 = arith.constant 0 : index
      %get3A_26 = vector.load %arg2[%get3A_24, %get3A_25] : memref<256x16xf32, #tpu.memory_space<vmem>>, vector<256x1xf32>
      %get3A_27 = arith.constant 0 : index
      %get3A_28 = arith.constant 0 : index
      %get3A_29 = vector.load %arg1[%get3A_27, %get3A_28] : memref<256x512xf32, #tpu.memory_space<vmem>>, vector<256x512xf32>
      %max3A_30 = arith.constant 1.000000e+00 : f32
      %max3A_31 = vector.broadcast %max3A_30 : f32 to vector<256x1xf32>
      %max3A_32 = arith.maximumf %get3A_26, %max3A_31 : vector<256x1xf32>
      %div3A = vector.broadcast %max3A_32 : vector<256x1xf32> to vector<256x512xf32>
      %div3A_33 = arith.divf %get3A_29, %div3A : vector<256x512xf32>
      %transpose3A = tpu.transpose %div3A_33, [1, 0] : vector<256x512xf32> -> vector<512x256xf32>
      %mul3A_34 = arith.mulf %transpose3A, %transpose3A : vector<512x256xf32>
      %reduce_sum3A_35 = arith.constant dense<0.000000e+00> : vector<256xf32>
      %reduce_sum3A_36 = vector.multi_reduction <add>, %mul3A_34, %reduce_sum3A_35 [0] : vector<512x256xf32> to vector<256xf32>
      %broadcast_in_dim3A_37 = vector.shape_cast %reduce_sum3A_36 : vector<256xf32> to vector<1x256xf32>
      %swap3A_38 = arith.constant 0 : index
      %swap3A_39 = arith.constant 0 : index
      %swap3A_40 = vector.load %arg6[%swap3A_38, %swap3A_39] : memref<1x256xf32, #tpu.memory_space<vmem>>, vector<1x256xf32>
      tpu.vector_store %arg6[%swap3A_38, %swap3A_39], %broadcast_in_dim3A_37 {strides = array<i32>} : memref<1x256xf32, #tpu.memory_space<vmem>>, vector<1x256xf32>,
      %convert_element_type3A_41 = arith.truncf %transpose3A : vector<512x256xf32> to vector<512x256xbf16>
      %swap3A_42 = arith.constant 0 : index
      %swap3A_43 = arith.constant 0 : index
      %swap3A_44 = vector.load %arg5[%swap3A_42, %swap3A_43] : memref<512x256xbf16, #tpu.memory_space<vmem>>, vector<512x256xbf16>
      tpu.vector_store %arg5[%swap3A_42, %swap3A_43], %convert_element_type3A_41 {strides = array<i32>} : memref<512x256xbf16, #tpu.memory_space<vmem>>, vector<512x256xbf16>,
    } else {
    }
    %get3A = arith.constant 0 : index
    %get3A_2 = arith.constant 0 : index
    %get3A_3 = vector.load %arg3[%get3A, %get3A_2] : memref<4096x512xf32, #tpu.memory_space<vmem>>, vector<4096x512xf32>
    %mul3A = arith.mulf %get3A_3, %get3A_3 : vector<4096x512xf32>
    %reduce_sum3A = arith.constant dense<0.000000e+00> : vector<4096xf32>
    %reduce_sum3A_4 = vector.multi_reduction <add>, %mul3A, %reduce_sum3A [1] : vector<4096x512xf32> to vector<4096xf32>
    %broadcast_in_dim3A = vector.shape_cast %reduce_sum3A_4 : vector<4096xf32> to vector<4096x1xf32>
    %convert_element_type3A_5 = arith.truncf %get3A_3 : vector<4096x512xf32> to vector<4096x512xbf16>
    %get3A_6 = arith.constant 0 : index
    %get3A_7 = arith.constant 0 : index
    %get3A_8 = vector.load %arg5[%get3A_6, %get3A_7] : memref<512x256xbf16, #tpu.memory_space<vmem>>, vector<512x256xbf16>
    %dot_general3A = arith.constant dense<0.000000e+00> : vector<4096x256xf32>
    %dot_general3A_9 = tpu.matmul %convert_element_type3A_5, %get3A_8, %dot_general3A {dimension_numbers = #tpu.dot_dimension_numbers<[1], [0], [0], [1], [0, 0, 1, 1], [], []>, transpose_lhs_hint = false} : vector<4096x512xbf16>, vector<512x256xbf16>, vector<4096x256xf32> -> vector<4096x256xf32>
    %get3A_10 = arith.constant 0 : index
    %get3A_11 = arith.constant 0 : index
    %get3A_12 = vector.load %arg6[%get3A_10, %get3A_11] : memref<1x256xf32, #tpu.memory_space<vmem>>, vector<1x256xf32>
    %add3A = vector.broadcast %broadcast_in_dim3A : vector<4096x1xf32> to vector<4096x256xf32>
    %add3A_13 = vector.broadcast %get3A_12 : vector<1x256xf32> to vector<4096x256xf32>
    %add3A_14 = arith.addf %add3A, %add3A_13 : vector<4096x256xf32>
    %mul3A_15 = arith.constant 2.000000e+00 : f32
    %mul3A_16 = vector.broadcast %mul3A_15 : f32 to vector<4096x256xf32>
    %mul3A_17 = arith.mulf %mul3A_16, %dot_general3A_9 : vector<4096x256xf32>
    %sub3A = arith.subf %add3A_14, %mul3A_17 : vector<4096x256xf32>
    %max3A = arith.constant 0.000000e+00 : f32
    %max3A_18 = vector.broadcast %max3A : f32 to vector<4096x256xf32>
    %max3A_19 = arith.maximumf %sub3A, %max3A_18 : vector<4096x256xf32>
    %sqrt3A = math.sqrt %max3A_19 : vector<4096x256xf32>
    %neg3A = arith.constant 0.000000e+00 : f32
    %neg3A_20 = vector.broadcast %neg3A : f32 to vector<4096x256xf32>
    %neg3A_21 = arith.subf %neg3A_20, %sqrt3A : vector<4096x256xf32>
    %swap3A = arith.constant 0 : index
    %swap3A_22 = arith.constant 0 : index
    %swap3A_23 = vector.load %arg4[%swap3A, %swap3A_22] : memref<4096x256xf32, #tpu.memory_space<vmem>>, vector<4096x256xf32>
    tpu.vector_store %arg4[%swap3A, %swap3A_22], %neg3A_21 {strides = array<i32>} : memref<4096x256xf32, #tpu.memory_space<vmem>>, vector<4096x256xf32>,
    return
  }
  func.func @transform_0(%arg0: i32) -> (i32, i32) {
    %c0_i32 = arith.constant 0 : i32
    %c0_i32_0 = arith.constant 0 : i32
    %c0_i32_1 = arith.constant 0 : i32
    return %c0_i32, %c0_i32_0 : i32, i32
  }
  func.func @transform_1(%arg0: i32) -> (i32, i32) {
    %c0_i32 = arith.constant 0 : i32
    %c0_i32_0 = arith.constant 0 : i32
    %c0_i32_1 = arith.constant 0 : i32
    return %c0_i32, %c0_i32_0 : i32, i32
  }
  func.func @transform_2(%arg0: i32) -> (i32, i32) {
    %c0_i32 = arith.constant 0 : i32
    %c0_i32_0 = arith.constant 0 : i32
    return %arg0, %c0_i32 : i32, i32
  }
  func.func @transform_3(%arg0: i32) -> (i32, i32) {
    %c0_i32 = arith.constant 0 : i32
    %c0_i32_0 = arith.constant 0 : i32
    return %arg0, %c0_i32 : i32, i32
  }
}

</mosaic_0001>

<sc_bundles>
// kernel: kernel.4.cloned.1.call-start
scs
__scs_entry_jumppad:
0x0: {  	(pc) =	sbr.rel $0x88, $3  }
0x1: {  	(tag) =	ssettag $0x0;
	lr =	simm.s32 $0x1  }
0x2: {  	[smem:$0x3F9E] =	sst lr;
	_ =	strace $0xD0000000  }
0x3: {  	_ = 	snop  }
0x4: {  	_ = 	snop  }
0x5: {  	_ = 	snop  }
0x6: {  	_ = 	snop  }
0x7: {  	_ = 	snop  }
__scs_overlays_trampoline_lowered:
0x8: {  	[smem:$0x3FAD] =	sst s0  }
0x9: {  	[smem:$0x3FAE] =	sst s1  }
0xa: {  	[smem:$0x3FAF] =	sst s2  }
0xb: {  	[smem:$0x3FB0] =	sst s3  }
0xc: {  	[smem:$0x3FB1] =	sst s4  }
0xd: {  	[smem:$0x3FB2] =	sst s5  }
0xe: {  	[smem:$0x3FB3] =	sst s6  }
0xf: {  	[smem:$0x3FB4] =	sst s7  }
0x10: {  	[smem:$0x3FB5] =	sst s8  }
0x11: {  	[smem:$0x3FB6] =	sst s9;
	s0 =	simm.s32 @!p0 $0x0  }
0x12: {  	s1 =	sld [smem:$0x3F9C];
	s0 =	simm.s32 @p0 $0x1  }
0x13: {  	[smem:$0x3FB7] =	sst s0;
	s0 =	simm.s32 @!p1 $0x0  }
0x14: {  	s2 =	sld [smem:$0x3F9B];
	s0 =	simm.s32 @p1 $0x1  }
0x15: {  	[smem:$0x3FB8] =	sst s0;
	s0 =	simm.s32 @!p2 $0x0  }
0x16: {  	s3 =	sld [smem:$0x3FDB];
	s0 =	simm.s32 @p2 $0x1  }
0x17: {  	s4 =	simm.s32 $0x1BF5;
	[smem:$0x3FBA] =	sst s0  }
0x18: {  	s0 =	sld [smem:$0x3F9D];
	_ =	swait.ge [sflag:s4], $0x0  }
0x19: {  	s7 =	sld [smem:$0x3F9E]  }
0x1a: {  	s8 =	sadd.s32 $0xFFFFE003, lr  }
0x1b: {  	s9 =	sadd.s32 $0xFFFFFEF7, lr;
	s5 =	simm.s32 $0xFFFFFFFF;
	p2 =	slt.u32 s8, $0xFFFFF086  }
0x1c: {  	p1 =	slt.u32 s9, $0xF7A;
	s5 =	simm.s32 @!p2 $0x0  }
0x1d: {  	s5 =	simm.s32 @p1 $0x1;
	p0 =	seq.s32 s7, s2  }
0x1e: {  	s7 =	smul.u32 @!p0 $0xF7A, s2;
	p2 =	seq.s32 @!p0 s5, $0x0  }
0x1f: {  	s9 =	smul.u32 $0xF7A, s1;
	s8 =	simm.s32 @!p0 $0x1BF5;
	p2 =	por !p2, p0  }
0x20: {  	[sflag:s8] =	ssyncset.s32 @!p0 $0xFFFFF086;
	s6 =	sadd.s32 @!p0 s3, s7;
	s7 =	simm.s32 @!p0 $0x108  }
0x21: {  	s3 =	sadd.s32 s3, s9;
	s6 =	sadd.s32 @!p0 $0x88, s6;
	s7 =	simm.s32 @p2 $0x1082  }
0x22: {  	[simem:s7], [sflag:s8] =	dma.local @!p0 [hbm:s6], $0xF7A  }
0x23: {  	s9 =	sor.u32 $0xD0000000, s2;
	s6 =	simm.s32 $0x108;
	_ =	swait.ge @!p0 [sflag:s8], $0x0  }
0x24: {  	s3 =	sadd.s32 $0x88, s3;
	s6 =	simm.s32 @!p1 $0x1082;
	[sflag:s4] =	ssyncset.s32 $0xFFFFF086  }
0x25: {  	[simem:s6], [sflag:s4] =	dma.local [hbm:s3], $0xF7A  }
0x26: {  	[smem:$0x3F9E] =	sst s1;
	(tag) =	ssettag s2;
	_ =	strace s9  }
0x27: {  	s1 =	sld [smem:$0x3FAE]  }
0x28: {  	s2 =	sld [smem:$0x3FAF]  }
0x29: {  	s4 =	sld [smem:$0x3FB1]  }
0x2a: {  	p0 =	seq.s32 s5, $0x0;
	s5 =	sld [smem:$0x3FB2]  }
0x2b: {  	s6 =	sld [smem:$0x3FB3]  }
0x2c: {  	s7 =	sld [smem:$0x3FB4]  }
0x2d: {  	s3 =	simm.s32 $0x108;
	s8 =	sld [smem:$0x3FB5]  }
0x2e: {  	s3 =	simm.s32 @!p0 $0x1082;
	s9 =	sld [smem:$0x3FB6]  }
0x2f: {  	lr =	sadd.s32 s0, s3;
	s0 =	sld [smem:$0x3FAD]  }
0x30: {  	s3 =	sld [smem:$0x3FB0]  }
0x31: {  	[smem:$0x3FB9] =	sst s10  }
0x32: {  	s10 =	sld [smem:$0x3FB7];
	_ =	sdelay $0x3  }
0x33: {  	p0 =	seq.s32 s10, $0x1;
	s10 =	sld [smem:$0x3FB9];
	_ =	sdelay $0x3  }
0x34: {  	[smem:$0x3FB9] =	sst s10  }
0x35: {  	s10 =	sld [smem:$0x3FB8];
	_ =	sdelay $0x3  }
0x36: {  	p1 =	seq.s32 s10, $0x1;
	s10 =	sld [smem:$0x3FB9];
	_ =	sdelay $0x3  }
0x37: {  	[smem:$0x3FB9] =	sst s10  }
0x38: {  	s10 =	sld [smem:$0x3FBA]  }
0x39: {  	_ = 	snop;
	(pc) =	sbr.ind lr, $3  }
0x3a: {  	_ = 	snop  }
0x3b: {  	_ = 	snop  }
0x3c: {  	p2 =	seq.s32 s10, $0x1;
	s10 =	sld [smem:$0x3FB9]  }
0x3d: {  	_ =	shalt  }
0x3e: {  	_ =	shalt  }
0x3f: {  	_ =	shalt  }
0x40: {  	_ =	shalt  }
0x41: {  	_ =	shalt  }
0x42: {  	_ =	shalt  }
0x43: {  	_ =	shalt  }
0x44: {  	_ =	shalt  }
0x45: {  	_ =	shalt  }
0x46: {  	_ =	shalt  }
0x47: {  	_ =	shalt  }
0x48: {  	_ =	shalt  }
0x49: {  	_ =	shalt  }
0x4a: {  	_ =	shalt  }
0x4b: {  	_ =	shalt  }
0x4c: {  	_ =	shalt  }
0x4d: {  	_ =	shalt  }
0x4e: {  	_ =	shalt  }
0x4f: {  	_ =	shalt  }
0x50: {  	_ =	shalt  }
0x51: {  	_ =	shalt  }
0x52: {  	_ =	shalt  }
0x53: {  	_ =	shalt  }
0x54: {  	_ =	shalt  }
0x55: {  	_ =	shalt  }
0x56: {  	_ =	shalt  }
0x57: {  	_ =	shalt  }
0x58: {  	_ =	shalt  }
0x59: {  	_ =	shalt  }
0x5a: {  	_ =	shalt  }
0x5b: {  	_ =	shalt  }
0x5c: {  	_ =	shalt  }
0x5d: {  	_ =	shalt  }
0x5e: {  	_ =	shalt  }
0x5f: {  	_ =	shalt  }
0x60: {  	_ =	shalt  }
0x61: {  	_ =	shalt  }
0x62: {  	_ =	shalt  }
0x63: {  	_ =	shalt  }
0x64: {  	_ =	shalt  }
0x65: {  	_ =	shalt  }
0x66: {  	_ =	shalt  }
0x67: {  	_ =	shalt  }
0x68: {  	_ =	shalt  }
0x69: {  	_ =	shalt  }
0x6a: {  	_ =	shalt  }
0x6b: {  	_ =	shalt  }
0x6c: {  	_ =	shalt  }
0x6d: {  	_ =	shalt  }
0x6e: {  	_ =	shalt  }
0x6f: {  	_ =	shalt  }
0x70: {  	_ =	shalt  }
0x71: {  	_ =	shalt  }
0x72: {  	_ =	shalt  }
0x73: {  	_ =	shalt  }
0x74: {  	_ =	shalt  }
0x75: {  	_ =	shalt  }
0x76: {  	_ =	shalt  }
0x77: {  	_ =	shalt  }
0x78: {  	_ =	shalt  }
0x79: {  	_ =	shalt  }
0x7a: {  	_ =	shalt  }
0x7b: {  	_ =	shalt  }
0x7c: {  	_ =	shalt  }
0x7d: {  	_ =	shalt  }
0x7e: {  	_ =	shalt  }
0x7f: {  	_ =	shalt  }
0x80: {  	_ =	shalt  }
0x81: {  	_ =	shalt  }
0x82: {  	_ =	shalt  }
0x83: {  	_ =	shalt  }
0x84: {  	_ =	shalt  }
0x85: {  	_ =	shalt  }
0x86: {  	_ =	shalt  }
0x87: {  	_ =	shalt  }
.Lfunc_end0:
.L_simem_size_0:
called_computation_lowered:
.L_overlay_start_0:
0x88: {  	s2 =	sld [smem:$0x3FD9]  }
0x89: {  	s3 =	sld [smem:$0x3FFE];
	_ =	sdelay $0x1  }
0x8a: {  	s1 =	srdreg.scid  }
0x8b: {  	s0 =	sand.u32 $0x1, s1  }
0x8c: {  	s17 =	sshll.u32 s0, $0xA;
	s2 =	sadd.s32 s3, s2  }
0x8d: {  	s2 =	sadd.s32 s2, s17  }
0x8e: {  	[smem:$0x3FC5] =	sst s2  }
0x8f: {  	_ = 	snop  }
0x90: {  	s2 =	sld [smem:$0x3FC9]  }
0x91: {  	s18 =	sld [smem:$0x3FC8]  }
0x92: {  	s4 =	sld [smem:$0x3FD0];
	(tm) =	ssettm $0x1  }
0x93: {  	s5 =	sld [smem:$0x3FFB];
	_ =	sdelay $0x3  }
0x94: {  	_ =	strace s5  }
0x95: {  	s5 =	sld [smem:$0x3FFC];
	_ =	sdelay $0x3  }
0x96: {  	_ =	strace s5  }
0x97: {  	s5 =	sld [smem:$0x3FFD];
	_ =	sdelay $0x3  }
0x98: {  	_ =	strace s5  }
0x99: {  	_ =	strace $0x8FFFFFFF  }
0x9a: {  	s19 =	sld [smem:$0x3FDB];
	_ =	sdelay $0x1  }
0x9b: {  	s6 =	simm.s32 $_scs_section_size  }
0x9c: {  	s7 =	simm.s32 $_size__tile_overlayer_lowered;
	s8 =	simm.s32 $_tile_overlayer_lowered  }
0x9d: {  	s22 =	simm.s32 $0x1BFF;
	s21 =	sshll.u32 s8, $0x1;
	s5 =	sadd.s32 s6, s19  }
0x9e: {  	s9 =	simm.s32 $0x0;
	s20 =	sshll.u32 s7, $0x1;
	s7 =	sadd.s32 s21, s5  }
0x9f: {  	[timem:s9], [sflag:s22] =	dma.local [hbm:s7], s20  }
0xa0: {  	_ =	swait.ge [sflag:s22], s20  }
0xa1: {  	s6 =	ssub.s32 $0x0, s20;
	[sflag:s22] =	ssyncset.done $0x0  }
0xa2: {  	[sflag:s22] =	ssyncadd.s32 s6;
	_ =	sdelay $0x1  }
0xa3: {  	s23 =	simm.s32 $0x1B8B  }
0xa4: {  	_ =	swait.ge [sflag:s23], $0x1  }
0xa5: {  	[sflag:s23] =	ssyncset.done $0x0  }
0xa6: {  	s25 =	simm.s32 $0x1B8E;
	s24 =	sld [smem:$0x3FFE];
	[sflag:s23] =	ssyncadd.s32 $0xFFFFFFFF  }
0xa7: {  	s26 =	simm.s32 $execute0_lowered;
	[smem:$0x3FD2] =	sst s25  }
0xa8: {  	s7 =	sshll.u32 s26, $0x1;
	_ =	strace $0x80000046;
	[dreg:$0x1] =	wrdreg $0xFFFFFFFF  }
0xa9: {  	s28 =	simm.s32 $_size_execute0_lowered;
	s5 =	sadd.s32 s5, s7;
	[dreg:$0x0] =	wrdreg $0x0  }
0xaa: {  	s7 =	sshll.u32 s28, $0x1;
	[dreg:$0x2] =	wrdreg s5  }
0xab: {  	[dreg:$0x3] =	wrdreg s7  }
0xac: {  	[dreg:$0x4] =	wrdreg $0xC0  }
0xad: {  	_ =	task [dreg:s9], $0x5FFFF  }
0xae: {  	[dreg:$0x1] =	wrdreg $0xFFFFFFFF  }
0xaf: {  	[dreg:$0x0] =	wrdreg $0x60  }
0xb0: {  	[dreg:$0x2] =	wrdreg s2  }
0xb1: {  	[dreg:$0x3] =	wrdreg s18  }
0xb2: {  	[dreg:$0x4] =	wrdreg s4  }
0xb3: {  	[dreg:$0x5] =	wrdreg s24  }
0xb4: {  	[dreg:$0x6] =	wrdreg $0x9  }
0xb5: {  	_ =	task.clear_ibuf [dreg:s9], $0x7FFFF;
	_ =	strace $0x90000046  }
0xb6: {  	s29 =	simm.s32 $0x9;
	_ =	strace $0x80000048  }
0xb7: {  	_ =	swait.ge [sflag:s29], $0x1  }
0xb8: {  	[sflag:s29] =	ssyncadd.s32 $0xFFFFFFFF  }
0xb9: {  	_ =	strace $0x90000048  }
0xba: {  	_ =	sfence  }
0xbb: {  	s30 =	sld [smem:$0x0];
	_ =	sdelay $0x2  }
0xbc: {  	s31 =	sshll.u32 s1, $0xD;
	s1 =	sshrl.u32 s1, $0x2  }
0xbd: {  	s3 =	sand.u32 $0x4000, s31;
	s1 =	sadd.s32 s1, s30  }
0xbe: {  	s0 =	sor.u32 s3, s0;
	s1 =	sshll.u32 s1, $0x11  }
0xbf: {  	s0 =	sor.u32 s1, s0  }
0xc0: {  	s0 =	sadd.s32 $0x8F2B, s0  }
0xc1: {  	[sflag:s0] =	ssyncadd.remote.s32 $0x1  }
0xc2: {  	_ =	sfence.sel $0xFFFF  }
0xc3: {  	[dreg:$0x0] =	wrdreg $0xFFFFFFFF;
	(pc) =	sbr.abs _section_cstart, $3  }
0xc4: {  	[dreg:$0x1] =	wrdreg $0xFFFFFFFF  }
0xc5: {  	_ =	task.clear_ibuf [dreg:s9], $0x2FFFF;
	_ =	strace $0x9FFFFFFF  }
0xc6: {  	(tm) =	ssettm $0x7FFFFFFF  }
0xc7: {  	_ =	shalt  }
tec
execute0_lowered:
.L_overlay_start_1:
0x0: {  	(tag) =	ssettag $0x1  }
0x1: {  	s0 =	rddreg [dreg:$0x0]  }
0x2: {  	v0 =	vlaneseq.u32;
	s5 =	rddreg [dreg:$0x2]  }
0x3: {  	s6 =	rddreg [dreg:$0x3];
	v1 =	vor.u32 $0x410, v0  }
0x4: {  	s3 =	srdreg.scid;
	s1 =	rddreg [dreg:$0x4];
	v62 =	vor.u32 $0x430, v0;
	[tilespmem:$0x1FF10] =	vst v1  }
0x5: {  	[dreg:$0x5] =	wrdreg s0;
	s7 =	sand.u32 $0x1, s3;
	s3 =	simm.s32 $0x0;
	v63 =	vor.u32 $0x460, v0;
	[tilespmem:$0x1FF20] =	vst v62  }
0x6: {  	v9 =	vor.u32 $0x10, v0;
	[smem:$0x7FF] =	sst s3;
	[tilespmem:$0x1FF30] =	vst v63  }
0x7: {  	s0 =	rddreg [dreg:$0x1];
	v61 =	vor.u32 $0x840, v0;
	_ =	strace $0x80000047;
	[tilespmem:$0x1FF40] =	vst v9  }
0x8: {  	v26 =	vor.u32 $0xC30, v0;
	[tilespmem:$0x1FF50] =	vst v61  }
0x9: {  	v24 =	vor.u32 $0xC70, v0;
	[tilespmem:$0x1FF60] =	vst v26  }
0xa: {  	v23 =	vor.u32 $0xC60, v0;
	[tilespmem:$0x1FF70] =	vst v24  }
0xb: {  	v10 =	vor.u32 $0x20, v0;
	v22 =	vor.u32 $0xC50, v0;
	[tilespmem:$0x1FF80] =	vst v23  }
0xc: {  	s2 =	stileid.u32;
	v11 =	vor.u32 $0x30, v0;
	v14 =	vor.u32 $0x40, v0;
	v39 =	vor.u32 $0x830, v0;
	[tilespmem:$0x1FF90] =	vst v22  }
0xd: {  	s10 =	simm.s32 $0xC080;
	s11 =	simm.s32 $0xD080;
	v13 =	vor.u32 $0x50, v0;
	v12 =	vor.u32 $0x60, v0;
	s8 =	sshll.u32 s2, $0x3;
	v21 =	vor.u32 $0xC40, v0;
	[tilespmem:$0x1FFA0] =	vst v39  }
.Ltmp0:
0xe: {  	v36 =	vor.u32 $0x70, v0;
	v20 =	vor.u32 $0x400, v0;
	v4 =	vor.u32 $0x420, v0;
	s4 =	sshll.u32 s7, $0x7;
	s7 =	ssub.s32 $0x2, s7;
	[tilespmem:$0x1FFB0] =	vst v21;
	(pc) =	sbr.rel .LBB2_1-.Ltmp0, $4  }
0xf: {  	s12 =	simm.s32 $0x0;
	v5 =	vor.u32 $0x440, v0;
	v6 =	vor.u32 $0x450, v0;
	v18 =	vor.u32 $0x850, v0;
	s4 =	sor.u32 s8, s4;
	s31 =	sshrl.u32 s7, $0x1;
	[tilespmem:$0x1FFC0] =	vst v36  }
0x10: {  	v15 =	vor.u32 $0x470, v0;
	v16 =	vor.u32 $0x800, v0;
	v43 =	vor.u32 $0x860, v0;
	[tilespmem:$0x1FFD0] =	vst v18;
	s8 =	sshll.u32 s4, $0x4;
	s9 =	sshll.u32 s4, $0x6;
	s7 =	ssub.s32 s7, s31  }
0x11: {  	v41 =	vor.u32 $0x810, v0;
	v34 =	vor.u32 $0x820, v0;
	v8 =	vor.u32 $0x870, v0;
	[tilespmem:$0x1FFE0] =	vst v43;
	s6 =	sadd.s32 s8, s6;
	s5 =	sadd.s32 s5, s9;
	s7 =	smax.u32 s7, $0x1  }
0x12: {  	v30 =	vor.u32 $0xC00, v0;
	v31 =	vor.u32 $0xC10, v0;
	v27 =	vor.u32 $0xC20, v0;
	[tilespmem:$0x1FFF0] =	vst v8;
	s8 =	simm.s32 $0x1;
	s9 =	simm.s32 $0x4080;
	s6 =	sadd.s32 $0xC00, s6  }
.LBB2_8:
0x13: {  	[hbm4b:s5+s3] =	stream.linear.scatter [tilespmem:s10], [sflag:$0x1], $0x1000, $0x38;
	[tilespmem:$0xD480] =	vst v63  }
0x14: {  	s12 =	sadd.s32 $0x1, s12;
	_ =	swait.ge [sflag:s8], $0x1000  }
0x15: {  	p0 =	sne.s32 s12, s7;
	[sflag:s8] =	ssyncset.done $0x0  }
.Ltmp1:
0x16: {  	[sflag:s8] =	ssyncadd.s32 $0xFFFFF000;
	(pc) =	sbr.rel @!p0 .LBB2_9-.Ltmp1, $4  }
0x17: {  	[hbm4b:s6+s3] =	stream.linear.scatter [tilespmem:s11], [sflag:$0x1], $0x400, $0x38;
	[tilespmem:$0xD480] =	vst v63  }
0x18: {  	_ =	swait.ge [sflag:s8], $0x400  }
0x19: {  	[sflag:s8] =	ssyncset.done $0x0  }
0x1a: {  	[sflag:s8] =	ssyncadd.s32 $0xFFFFFC00  }
.LBB2_1:
.Ltmp2:
0x1b: {  	(pc) =	sbr.rel .LBB2_2-.Ltmp2, $4  }
0x1c: {  	[tilespmem:s3], [sflag:$0x1] =	stream.linear.gather [hbm4b:s0+s3], $0x4000, $0x38;
	[tilespmem:$0xD480] =	vst v63  }
0x1d: {  	_ =	swait.ge [sflag:s8], $0x4000  }
0x1e: {  	[sflag:s8] =	ssyncset.done $0x0  }
0x1f: {  	s13 =	simm.s32 $0x0;
	[sflag:s8] =	ssyncadd.s32 $0xFFFFC000  }
.LBB2_3:
0x20: {  	v3 =	vimm.f32 $0.0e+00;
	v52 =	vimm.f32 $0.0e+00;
	v55 =	vimm.f32 $0.0e+00  }
0x21: {  	v53 =	vimm.f32 $0.0e+00;
	v60 =	vimm.f32 $0.0e+00;
	v49 =	vimm.f32 $0.0e+00  }
0x22: {  	v0 =	vimm.f32 $0.0e+00;
	v2 =	vimm.f32 $0.0e+00;
	v46 =	vimm.f32 $0.0e+00  }
0x23: {  	v48 =	vimm.f32 $0.0e+00;
	v51 =	vimm.f32 $0.0e+00;
	v38 =	vimm.f32 $0.0e+00  }
0x24: {  	v37 =	vimm.f32 $0.0e+00;
	v45 =	vimm.f32 $0.0e+00;
	v40 =	vimm.f32 $0.0e+00  }
0x25: {  	v42 =	vimm.f32 $0.0e+00;
	v47 =	vimm.f32 $0.0e+00;
	v62 =	vimm.f32 $0.0e+00  }
0x26: {  	v1 =	vimm.f32 $0.0e+00;
	v54 =	vimm.f32 $0.0e+00;
	v50 =	vimm.f32 $0.0e+00  }
0x27: {  	v56 =	vimm.f32 $0.0e+00;
	v58 =	vimm.f32 $0.0e+00;
	v7 =	vimm.f32 $0.0e+00  }
0x28: {  	v35 =	vimm.f32 $0.0e+00;
	v44 =	vimm.f32 $0.0e+00;
	v59 =	vimm.f32 $0.0e+00  }
0x29: {  	v29 =	vimm.f32 $0.0e+00;
	v57 =	vimm.f32 $0.0e+00;
	v28 =	vimm.f32 $0.0e+00;
	[tilespmem:$0x1FEF0] =	vst v0  }
0x2a: {  	v25 =	vmovc v8;
	v26 =	vld [tilespmem:$0x1FF60];
	v19 =	vmovc v4;
	v17 =	vmov v5;
	v63 =	vmov v6;
	v0 =	vimm.f32 $0.0e+00;
	[tilespmem:$0x1FF00] =	vst v7  }
.LBB2_7:
0x2b: {  	v4 =	vmov s13  }
0x2c: {  	v4 =	vshll.u32 v4, $0x7  }
0x2d: {  	v4 =	vbroadcast v4, $0x0  }
0x2e: {  	v5 =	vlaneseq.u32  }
0x2f: {  	v5 =	vor.u32 v5, v4  }
0x30: {  	v6 =	vor.u32 v9, v4  }
0x31: {  	v7 =	vor.u32 v10, v4  }
0x32: {  	v8 =	vor.u32 v11, v4  }
0x33: {  	v33 =	vor.u32 v14, v4  }
0x34: {  	[tilespmem:v5+s10+$0x0] =	vst.idx.msk $0xffff, v32;
	v32 =	vor.u32 v13, v4  }
0x35: {  	[tilespmem:v6+s10+$0x0] =	vst.idx.msk $0xffff, v3  }
0x36: {  	[tilespmem:v7+s10+$0x0] =	vst.idx.msk $0xffff, v52  }
0x37: {  	v3 =	vor.u32 v12, v4;
	[tilespmem:v8+s10+$0x0] =	vst.idx.msk $0xffff, v55  }
0x38: {  	[tilespmem:v33+s10+$0x0] =	vst.idx.msk $0xffff, v53  }
0x39: {  	v6 =	vor.u32 v36, v4;
	[tilespmem:v32+s10+$0x0] =	vst.idx.msk $0xffff, v60;
	v60 =	vld [tilespmem:$0x1FEF0]  }
0x3a: {  	v7 =	vor.u32 v20, v4;
	v8 =	vld [tilespmem:$0x1FF10];
	_ =	sdelay $0x1  }
0x3b: {  	[tilespmem:v3+s10+$0x0] =	vst.idx.msk $0xffff, v49;
	v3 =	vld [tilespmem:$0x1FF20];
	_ =	sdelay $0x1  }
0x3c: {  	[tilespmem:v6+s10+$0x0] =	vst.idx.msk $0xffff, v60  }
0x3d: {  	v8 =	vor.u32 v8, v4;
	[tilespmem:v7+s10+$0x0] =	vst.idx.msk $0xffff, v2;
	v7 =	vld [tilespmem:$0x1FF30]  }
0x3e: {  	v55 =	vor.u32 v19, v4  }
0x3f: {  	v3 =	vor.u32 v3, v4  }
0x40: {  	v6 =	vor.u32 v17, v4  }
0x41: {  	v33 =	vor.u32 v63, v4  }
0x42: {  	[tilespmem:v8+s10+$0x0] =	vst.idx.msk $0xffff, v46;
	v7 =	vor.u32 v7, v4  }
0x43: {  	v8 =	vor.u32 v15, v4;
	[tilespmem:v55+s10+$0x0] =	vst.idx.msk $0xffff, v48  }
0x44: {  	[tilespmem:v3+s10+$0x0] =	vst.idx.msk $0xffff, v51;
	v3 =	vor.u32 v16, v4  }
0x45: {  	[tilespmem:v6+s10+$0x0] =	vst.idx.msk $0xffff, v38;
	v6 =	vor.u32 v41, v4  }
0x46: {  	v49 =	vor.u32 v34, v4;
	[tilespmem:v33+s10+$0x0] =	vst.idx.msk $0xffff, v0  }
0x47: {  	v51 =	vor.u32 v39, v4;
	[tilespmem:v7+s10+$0x0] =	vst.idx.msk $0xffff, v37  }
0x48: {  	v7 =	vor.u32 v61, v4;
	[tilespmem:v8+s10+$0x0] =	vst.idx.msk $0xffff, v45  }
0x49: {  	[tilespmem:v3+s10+$0x0] =	vst.idx.msk $0xffff, v40;
	v3 =	vor.u32 v18, v4  }
0x4a: {  	[tilespmem:v6+s10+$0x0] =	vst.idx.msk $0xffff, v42;
	v6 =	vor.u32 v43, v4  }
0x4b: {  	v52 =	vor.u32 v25, v4;
	[tilespmem:v49+s10+$0x0] =	vst.idx.msk $0xffff, v47  }
0x4c: {  	v53 =	vor.u32 v30, v4;
	[tilespmem:v51+s10+$0x0] =	vst.idx.msk $0xffff, v62  }
0x4d: {  	v55 =	vor.u32 v31, v4;
	[tilespmem:v7+s10+$0x0] =	vst.idx.msk $0xffff, v1;
	v7 =	vld [tilespmem:$0x1FF00]  }
0x4e: {  	[tilespmem:v3+s10+$0x0] =	vst.idx.msk $0xffff, v54;
	v3 =	vor.u32 v27, v4  }
0x4f: {  	[tilespmem:v6+s10+$0x0] =	vst.idx.msk $0xffff, v50;
	v6 =	vor.u32 v26, v4  }
0x50: {  	[tilespmem:v52+s10+$0x0] =	vst.idx.msk $0xffff, v56;
	v56 =	vor.u32 v21, v4  }
0x51: {  	[tilespmem:v53+s10+$0x0] =	vst.idx.msk $0xffff, v58;
	v58 =	vor.u32 v22, v4  }
0x52: {  	v60 =	vor.u32 v23, v4;
	[tilespmem:v55+s10+$0x0] =	vst.idx.msk $0xffff, v7  }
0x53: {  	s13 =	sadd.s32 $0x1, s13;
	[tilespmem:v3+s10+$0x0] =	vst.idx.msk $0xffff, v35;
	v3 =	vor.u32 v24, v4  }
0x54: {  	p0 =	sne.s32 s13, $0x8;
	[tilespmem:v6+s10+$0x0] =	vst.idx.msk $0xffff, v44  }
.Ltmp3:
0x55: {  	s14 =	ssub.s32 s15, s14;
	[tilespmem:v56+s10+$0x0] =	vst.idx.msk $0xffff, v59;
	(pc) =	sbr.rel @!p0 .LBB2_8-.Ltmp3, $4  }
0x56: {  	s14 =	scvt.s32.f32 s14;
	[tilespmem:v58+s10+$0x0] =	vst.idx.msk $0xffff, v29  }
0x57: {  	[tilespmem:v60+s10+$0x0] =	vst.idx.msk $0xffff, v57  }
0x58: {  	v62 =	vmov s14;
	[tilespmem:v3+s10+$0x0] =	vst.idx.msk $0xffff, v28  }
0x59: {  	v8 =	vmovc v25;
	v4 =	vmov v19;
	v6 =	vmov v63;
	[tilespmem:v5+s11+$0x0] =	vst.idx.msk $0xffff, v62;
	v5 =	vmov v17  }
.LBB2_2:
0x5a: {  	v0 =	vld [tilespmem:$0x1FFF];
	_ =	sdelay $0x4  }
0x5b: {  	(v2sf) =	vpush v0, $0x0;
	_ =	sdelay $0xe  }
0x5c: {  	s14 =	sor.u32 s4, s13;
	s16 =	spop (v2sf)  }
0x5d: {  	s15 =	simm.s32 $0x2000;
	p0 =	slt.s32 s16, s14  }
0x5e: {  	s15 =	simm.s32 @!p0 $0x0  }
0x5f: {  	v63 =	vld [tilespmem:s15+$0xFFF];
	_ =	sdelay $0x4  }
0x60: {  	(v2sf) =	vpush v63, $0x0;
	_ =	sdelay $0xe  }
0x61: {  	s17 =	spop (v2sf)  }
0x62: {  	s18 =	sor.u32 $0x1000, s15;
	p0 =	slt.s32 s17, s14  }
0x63: {  	s15 =	smov.u32 @p0 s18  }
0x64: {  	v32 =	vld [tilespmem:s15+$0x7FF];
	_ =	sdelay $0x4  }
0x65: {  	(v2sf) =	vpush v32, $0x0;
	_ =	sdelay $0xe  }
0x66: {  	s30 =	spop (v2sf)  }
0x67: {  	s18 =	sor.u32 $0x800, s15;
	p0 =	slt.s32 s30, s14  }
0x68: {  	s15 =	smov.u32 @p0 s18  }
0x69: {  	v33 =	vld [tilespmem:s15+$0x3FF];
	_ =	sdelay $0x4  }
0x6a: {  	(v2sf) =	vpush v33, $0x0;
	_ =	sdelay $0xe  }
0x6b: {  	s31 =	spop (v2sf)  }
0x6c: {  	s18 =	sor.u32 $0x400, s15;
	p0 =	slt.s32 s31, s14  }
0x6d: {  	s15 =	smov.u32 @p0 s18  }
0x6e: {  	v35 =	vld [tilespmem:s15+$0x1FF];
	_ =	sdelay $0x4  }
0x6f: {  	(v2sf) =	vpush v35, $0x0;
	_ =	sdelay $0xe  }
0x70: {  	s19 =	spop (v2sf)  }
0x71: {  	s18 =	sadd.s32 $0x200, s15;
	p0 =	slt.s32 s19, s14  }
0x72: {  	s15 =	smov.u32 @p0 s18  }
0x73: {  	v37 =	vld [tilespmem:s15+$0xFF];
	_ =	sdelay $0x4  }
0x74: {  	(v2sf) =	vpush v37, $0x0;
	_ =	sdelay $0xe  }
0x75: {  	s20 =	spop (v2sf)  }
0x76: {  	s18 =	sadd.s32 $0x100, s15;
	p0 =	slt.s32 s20, s14  }
0x77: {  	s15 =	smov.u32 @p0 s18  }
0x78: {  	v38 =	vld [tilespmem:s15+$0x7F];
	_ =	sdelay $0x4  }
0x79: {  	(v2sf) =	vpush v38, $0x0;
	_ =	sdelay $0xe  }
0x7a: {  	s21 =	spop (v2sf)  }
0x7b: {  	s18 =	sadd.s32 $0x80, s15;
	p0 =	slt.s32 s21, s14  }
0x7c: {  	s15 =	smov.u32 @p0 s18  }
0x7d: {  	v40 =	vld [tilespmem:s15+$0x3F];
	_ =	sdelay $0x4  }
0x7e: {  	(v2sf) =	vpush v40, $0x0;
	_ =	sdelay $0xe  }
0x7f: {  	s22 =	spop (v2sf)  }
0x80: {  	s18 =	sadd.s32 $0x40, s15;
	p0 =	slt.s32 s22, s14  }
0x81: {  	s15 =	smov.u32 @p0 s18  }
0x82: {  	v42 =	vld [tilespmem:s15+$0x1F];
	_ =	sdelay $0x4  }
0x83: {  	(v2sf) =	vpush v42, $0x0;
	_ =	sdelay $0xe  }
0x84: {  	s23 =	spop (v2sf)  }
0x85: {  	s18 =	sadd.s32 $0x20, s15;
	p0 =	slt.s32 s23, s14  }
0x86: {  	s15 =	smov.u32 @p0 s18  }
0x87: {  	v44 =	vld [tilespmem:s15+$0xF];
	_ =	sdelay $0x4  }
0x88: {  	(v2sf) =	vpush v44, $0x0;
	_ =	sdelay $0xe  }
0x89: {  	s24 =	spop (v2sf)  }
0x8a: {  	s18 =	sadd.s32 $0x10, s15;
	p0 =	slt.s32 s24, s14  }
0x8b: {  	s15 =	smov.u32 @p0 s18  }
0x8c: {  	v45 =	vld [tilespmem:s15+$0x7];
	_ =	sdelay $0x4  }
0x8d: {  	(v2sf) =	vpush v45, $0x0;
	_ =	sdelay $0xe  }
0x8e: {  	s25 =	spop (v2sf)  }
0x8f: {  	s18 =	sadd.s32 $0x8, s15;
	p0 =	slt.s32 s25, s14  }
0x90: {  	s15 =	smov.u32 @p0 s18  }
0x91: {  	v46 =	vld [tilespmem:s15+$0x3];
	_ =	sdelay $0x4  }
0x92: {  	(v2sf) =	vpush v46, $0x0;
	_ =	sdelay $0xe  }
0x93: {  	s26 =	spop (v2sf)  }
0x94: {  	s18 =	sadd.s32 $0x4, s15;
	p0 =	slt.s32 s26, s14  }
0x95: {  	s15 =	smov.u32 @p0 s18  }
0x96: {  	v47 =	vld [tilespmem:s15+$0x1];
	_ =	sdelay $0x4  }
0x97: {  	(v2sf) =	vpush v47, $0x0;
	_ =	sdelay $0xe  }
0x98: {  	s28 =	spop (v2sf)  }
0x99: {  	s18 =	sadd.s32 $0x2, s15;
	p0 =	slt.s32 s28, s14  }
0x9a: {  	s15 =	smov.u32 @p0 s18  }
0x9b: {  	v48 =	vld [tilespmem:s15+$0x0];
	_ =	sdelay $0x4  }
0x9c: {  	(v2sf) =	vpush v48, $0x0;
	_ =	sdelay $0xe  }
0x9d: {  	s29 =	spop (v2sf)  }
0x9e: {  	s17 =	simm.s32 $0x1;
	p0 =	slt.s32 s29, s14  }
0x9f: {  	s17 =	simm.s32 @!p0 $0x0  }
0xa0: {  	p0 =	sgt.s32 s16, s14;
	s15 =	sadd.s32 s17, s15;
	s17 =	simm.s32 $0x0  }
0xa1: {  	v49 =	vld [tilespmem:s15+$0x0];
	s17 =	simm.s32 @!p0 $0x2000  }
0xa2: {  	v1 =	vld [tilespmem:s17+$0xFFF];
	_ =	sdelay $0x3  }
0xa3: {  	(v2sf) =	vpush v49, $0x0  }
0xa4: {  	(v2sf) =	vpush v1, $0x0;
	_ =	sdelay $0xd  }
0xa5: {  	s16 =	spop (v2sf)  }
0xa6: {  	s30 =	spop (v2sf)  }
0xa7: {  	s18 =	sor.u32 $0x1000, s17;
	p0 =	sgt.s32 s30, s14  }
0xa8: {  	s18 =	smov.u32 @p0 s17  }
0xa9: {  	v50 =	vld [tilespmem:s18+$0x7FF];
	_ =	sdelay $0x4  }
0xaa: {  	(v2sf) =	vpush v50, $0x0;
	_ =	sdelay $0xe  }
0xab: {  	s31 =	spop (v2sf)  }
0xac: {  	s17 =	sor.u32 $0x800, s18;
	p0 =	sgt.s32 s31, s14  }
0xad: {  	s17 =	smov.u32 @p0 s18  }
0xae: {  	v51 =	vld [tilespmem:s17+$0x3FF];
	_ =	sdelay $0x4  }
0xaf: {  	(v2sf) =	vpush v51, $0x0;
	_ =	sdelay $0xe  }
0xb0: {  	s19 =	spop (v2sf)  }
0xb1: {  	s18 =	sor.u32 $0x400, s17;
	p0 =	sgt.s32 s19, s14  }
0xb2: {  	s18 =	smov.u32 @p0 s17  }
0xb3: {  	v52 =	vld [tilespmem:s18+$0x1FF];
	_ =	sdelay $0x4  }
0xb4: {  	(v2sf) =	vpush v52, $0x0;
	_ =	sdelay $0xe  }
0xb5: {  	s20 =	spop (v2sf)  }
0xb6: {  	s17 =	sadd.s32 $0x200, s18;
	p0 =	sgt.s32 s20, s14  }
0xb7: {  	s17 =	smov.u32 @p0 s18  }
0xb8: {  	v53 =	vld [tilespmem:s17+$0xFF];
	_ =	sdelay $0x4  }
0xb9: {  	(v2sf) =	vpush v53, $0x0;
	_ =	sdelay $0xe  }
0xba: {  	s21 =	spop (v2sf)  }
0xbb: {  	s18 =	sadd.s32 $0x100, s17;
	p0 =	sgt.s32 s21, s14  }
0xbc: {  	s18 =	smov.u32 @p0 s17  }
0xbd: {  	v54 =	vld [tilespmem:s18+$0x7F];
	_ =	sdelay $0x4  }
0xbe: {  	(v2sf) =	vpush v54, $0x0;
	_ =	sdelay $0xe  }
0xbf: {  	s22 =	spop (v2sf)  }
0xc0: {  	s17 =	sadd.s32 $0x80, s18;
	p0 =	sgt.s32 s22, s14  }
0xc1: {  	s17 =	smov.u32 @p0 s18  }
0xc2: {  	v55 =	vld [tilespmem:s17+$0x3F];
	_ =	sdelay $0x4  }
0xc3: {  	(v2sf) =	vpush v55, $0x0;
	_ =	sdelay $0xe  }
0xc4: {  	s23 =	spop (v2sf)  }
0xc5: {  	s18 =	sadd.s32 $0x40, s17;
	p0 =	sgt.s32 s23, s14  }
0xc6: {  	s18 =	smov.u32 @p0 s17  }
0xc7: {  	v56 =	vld [tilespmem:s18+$0x1F];
	_ =	sdelay $0x4  }
0xc8: {  	(v2sf) =	vpush v56, $0x0;
	_ =	sdelay $0xe  }
0xc9: {  	s24 =	spop (v2sf)  }
0xca: {  	s17 =	sadd.s32 $0x20, s18;
	p0 =	sgt.s32 s24, s14  }
0xcb: {  	s17 =	smov.u32 @p0 s18  }
0xcc: {  	v57 =	vld [tilespmem:s17+$0xF];
	_ =	sdelay $0x4  }
0xcd: {  	(v2sf) =	vpush v57, $0x0;
	_ =	sdelay $0xe  }
0xce: {  	s25 =	spop (v2sf)  }
0xcf: {  	s18 =	sadd.s32 $0x10, s17;
	p0 =	sgt.s32 s25, s14  }
0xd0: {  	s18 =	smov.u32 @p0 s17  }
0xd1: {  	v58 =	vld [tilespmem:s18+$0x7];
	_ =	sdelay $0x4  }
0xd2: {  	(v2sf) =	vpush v58, $0x0;
	_ =	sdelay $0xe  }
0xd3: {  	s26 =	spop (v2sf)  }
0xd4: {  	s17 =	sadd.s32 $0x8, s18;
	p0 =	sgt.s32 s26, s14  }
0xd5: {  	s17 =	smov.u32 @p0 s18  }
0xd6: {  	v59 =	vld [tilespmem:s17+$0x3];
	_ =	sdelay $0x4  }
0xd7: {  	(v2sf) =	vpush v59, $0x0;
	_ =	sdelay $0xe  }
0xd8: {  	s28 =	spop (v2sf)  }
0xd9: {  	s18 =	sadd.s32 $0x4, s17;
	p0 =	sgt.s32 s28, s14  }
0xda: {  	s18 =	smov.u32 @p0 s17  }
0xdb: {  	v60 =	vld [tilespmem:s18+$0x1];
	_ =	sdelay $0x4  }
0xdc: {  	(v2sf) =	vpush v60, $0x0;
	_ =	sdelay $0xe  }
0xdd: {  	s29 =	spop (v2sf)  }
0xde: {  	s17 =	sadd.s32 $0x2, s18;
	p0 =	sgt.s32 s29, s14  }
0xdf: {  	s17 =	smov.u32 @p0 s18  }
0xe0: {  	v62 =	vld [tilespmem:s17+$0x0];
	_ =	sdelay $0x4  }
0xe1: {  	(v2sf) =	vpush v62, $0x0;
	_ =	sdelay $0xe  }
0xe2: {  	s30 =	spop (v2sf)  }
0xe3: {  	s18 =	simm.s32 $0x1;
	p0 =	sle.s32 s30, s14  }
0xe4: {  	s18 =	simm.s32 @!p0 $0x0  }
0xe5: {  	s17 =	sadd.s32 s18, s17  }
0xe6: {  	v63 =	vld [tilespmem:s17+$0x0];
	_ =	sdelay $0x4  }
0xe7: {  	(v2sf) =	vpush v63, $0x0;
	_ =	sdelay $0xe  }
0xe8: {  	p0 =	slt.s32 s16, s14;
	s16 =	simm.s32 $0x1;
	s31 =	spop (v2sf)  }
0xe9: {  	s16 =	simm.s32 @!p0 $0x0;
	s18 =	simm.s32 $0x1;
	p0 =	sle.s32 s31, s14  }
0xea: {  	s14 =	sadd.s32 s16, s15;
	s18 =	simm.s32 @!p0 $0x0  }
0xeb: {  	s16 =	sand.u32 $0xFFFFFFF8, s14;
	s15 =	sadd.s32 s18, s17  }
0xec: {  	s17 =	ssub.s32 s15, s16  }
0xed: {  	p0 =	slt.s32 s17, $0x1  }
.Ltmp4:
0xee: {  	_ = 	snop;
	(pc) =	sbr.rel @p0 .LBB2_3-.Ltmp4, $2  }
0xef: {  	_ =	sdelay $0x2  }
0xf0: {  	v32 =	vimm.f32 $0.0e+00  }
0xf1: {  	p0 =	slt.s32 s16, $0x3FC0;
	s19 =	smov.u32 s16  }
0xf2: {  	s19 =	simm.s32 @!p0 $0x3FC0  }
0xf3: {  	s18 =	rddreg [dreg:$0x5];
	s20 =	sshll.u32 s19, $0x6  }
0xf4: {  	s17 =	sadd.s32 $0x3F, s17;
	s18 =	sadd.s32 s18, s20  }
0xf5: {  	[tilespmem:s9], [sflag:$0x1] =	stream.linear.gather [hbm4b:s18+s3], $0x8000, $0x38;
	[tilespmem:$0xD480] =	vst v63  }
0xf6: {  	s31 =	sshll.u32 s17, $0x10;
	_ =	swait.ge [sflag:s8], $0x8000  }
0xf7: {  	v63 =	vimm.f32 $0.0e+00;
	v62 =	vimm.f32 $0.0e+00;
	v2 =	vmov v22;
	s18 =	sshra.s32 s31, $0x1F;
	v22 =	vld [tilespmem:$0x1FF10]  }
0xf8: {  	v61 =	vimm.f32 $0.0e+00;
	v60 =	vimm.f32 $0.0e+00;
	v59 =	vimm.f32 $0.0e+00;
	s18 =	sand.u32 $0x3F, s18;
	[sflag:s8] =	ssyncset.done $0x0;
	v9 =	vld [tilespmem:$0x1FF20]  }
0xf9: {  	v17 =	vmovc v6;
	v6 =	vmovc v23;
	v58 =	vimm.f32 $0.0e+00;
	v57 =	vimm.f32 $0.0e+00;
	v56 =	vimm.f32 $0.0e+00;
	v23 =	vld [tilespmem:$0x1FF30];
	s17 =	sadd.s32 s18, s17;
	[sflag:s8] =	ssyncadd.s32 $0xFFFF8000  }
0xfa: {  	v7 =	vmovc v21;
	v54 =	vimm.f32 $0.0e+00;
	v55 =	vimm.f32 $0.0e+00;
	v53 =	vimm.f32 $0.0e+00;
	s17 =	sshll.u32 s17, $0x10;
	v0 =	vld.idx.msk [tilespmem:v24+s9+$0x0], $0xffff  }
0xfb: {  	p5 =	slt.s32 s16, $0x3FC1;
	v51 =	vimm.f32 $0.0e+00;
	v50 =	vimm.f32 $0.0e+00;
	v52 =	vimm.f32 $0.0e+00;
	p1 =	slt.s32 s19, s15;
	v1 =	vld.idx.msk [tilespmem:v39+s9+$0x0], $0xffff;
	s17 =	sshra.s32 s17, $0x16  }
0xfc: {  	v48 =	vimm.f32 $0.0e+00;
	v49 =	vimm.f32 $0.0e+00;
	v47 =	vimm.f32 $0.0e+00;
	p0 =	por !p5, !p1;
	v3 =	vld.idx.msk [tilespmem:v36+s9+$0x0], $0xffff;
	p1 =	sne.s32 s17, $0x1  }
.Ltmp5:
0xfd: {  	v29 =	vmovc v18;
	v45 =	vimm.f32 $0.0e+00;
	v44 =	vimm.f32 $0.0e+00;
	v46 =	vimm.f32 $0.0e+00;
	v2 =	vld.idx.msk [tilespmem:v2+s9+$0x0], $0xffff;
	(pc) =	sbr.rel @!p1 .LBB2_6-.Ltmp5, $4  }
0xfe: {  	v18 =	vmovc v43;
	v25 =	vmovc v4;
	v42 =	vimm.f32 $0.0e+00;
	v40 =	vimm.f32 $0.0e+00;
	v43 =	vimm.f32 $0.0e+00;
	p6 =	sge.s32 s19, s14;
	p0 =	por !p0, !p0;
	v4 =	vld.idx.msk [tilespmem:v31+s9+$0x0], $0xffff  }
0xff: {  	v19 =	vmovc v41;
	v28 =	vmovc v5;
	v37 =	vimm.f32 $0.0e+00;
	v38 =	vimm.f32 $0.0e+00;
	v41 =	vimm.f32 $0.0e+00;
	p0 =	por !p0, !p6;
	v5 =	vld.idx.msk [tilespmem:v7+s9+$0x0], $0xffff  }
0x100: {  	v21 =	vmovc v34;
	v35 =	vimm.f32 $0.0e+00;
	v33 =	vimm.f32 $0.0e+00;
	v34 =	vimm.f32 $0.0e+00;
	p0 =	por !p0, !p0;
	v6 =	vld.idx.msk [tilespmem:v6+s9+$0x0], $0xffff  }
0x101: {  	v36 =	vimm.f32 $0.0e+00;
	v39 =	vimm.f32 $0.0e+00;
	v24 =	vld [tilespmem:$0x1FF60];
	s17 =	sadd.s32 $0xFFFFFFFF, s17;
	v0 =	vpsel !p0, $0x0, v0  }
.LBB2_5:
0x102: {  	_ =	sdelay $0x3  }
0x103: {  	v7 =	vld.idx.msk [tilespmem:v30+s9+$0x0], $0xffff;
	v1 =	vpsel !p0, $0x0, v1  }
0x104: {  	v63 =	vadd.f32 v1, v63;
	v1 =	vld.idx.msk [tilespmem:v8+s9+$0x0], $0xffff  }
0x105: {  	v32 =	vadd.f32 v0, v32;
	v0 =	vpsel !p0, $0x0, v3;
	v3 =	vld.idx.msk [tilespmem:v11+s9+$0x0], $0xffff  }
0x106: {  	v62 =	vadd.f32 v0, v62;
	v0 =	vld.idx.msk [tilespmem:v29+s9+$0x0], $0xffff  }
0x107: {  	v26 =	vmovc v31;
	v31 =	vmov v30;
	v30 =	vmov v8;
	v4 =	vpsel !p0, $0x0, v4;
	v8 =	vld.idx.msk [tilespmem:v14+s9+$0x0], $0xffff  }
0x108: {  	v2 =	vpsel !p0, $0x0, v2;
	v61 =	vadd.f32 v4, v61;
	v4 =	vpsel !p0, $0x0, v5;
	v5 =	vld.idx.msk [tilespmem:v13+s9+$0x0], $0xffff  }
0x109: {  	v60 =	vadd.f32 v2, v60;
	v2 =	vpsel !p0, $0x0, v6;
	v6 =	vld.idx.msk [tilespmem:v9+s9+$0x0], $0xffff;
	v1 =	vpsel !p0, $0x0, v1  }
0x10a: {  	v56 =	vadd.f32 v1, v56;
	v1 =	vld.idx.msk [tilespmem:v10+s9+$0x0], $0xffff  }
0x10b: {  	v57 =	vadd.f32 v2, v57;
	v2 =	vld.idx.msk [tilespmem:v25+s9+$0x0], $0xffff;
	v3 =	vpsel !p0, $0x0, v3;
	v0 =	vpsel !p0, $0x0, v0  }
0x10c: {  	v55 =	vadd.f32 v3, v55;
	v3 =	vld.idx.msk [tilespmem:v21+s9+$0x0], $0xffff;
	v54 =	vadd.f32 v0, v54;
	v0 =	vpsel !p0, $0x0, v8  }
0x10d: {  	v53 =	vadd.f32 v0, v53;
	v0 =	vpsel !p0, $0x0, v5;
	v5 =	vld.idx.msk [tilespmem:v12+s9+$0x0], $0xffff  }
0x10e: {  	v59 =	vadd.f32 v4, v59;
	v4 =	vld.idx.msk [tilespmem:v18+s9+$0x0], $0xffff  }
0x10f: {  	v50 =	vadd.f32 v0, v50;
	v0 =	vld.idx.msk [tilespmem:v19+s9+$0x0], $0xffff;
	v1 =	vpsel !p0, $0x0, v1  }
0x110: {  	v6 =	vpsel !p0, $0x0, v6;
	v48 =	vadd.f32 v1, v48;
	v1 =	vld.idx.msk [tilespmem:v22+s9+$0x0], $0xffff  }
0x111: {  	v51 =	vadd.f32 v6, v51;
	v6 =	vld.idx.msk [tilespmem:v15+s9+$0x0], $0xffff;
	v2 =	vpsel !p0, $0x0, v2  }
0x112: {  	v49 =	vadd.f32 v2, v49;
	v2 =	vpsel !p0, $0x0, v3;
	v3 =	vpsel !p0, $0x0, v5;
	v5 =	vld.idx.msk [tilespmem:v17+s9+$0x0], $0xffff  }
0x113: {  	v7 =	vpsel !p0, $0x0, v7;
	v8 =	vld [tilespmem:$0x1FF40]  }
0x114: {  	v58 =	vadd.f32 v7, v58;
	v7 =	vld.idx.msk [tilespmem:v24+s9+$0x0], $0xffff;
	v0 =	vpsel !p0, $0x0, v0  }
0x115: {  	v4 =	vpsel !p0, $0x0, v4;
	v42 =	vadd.f32 v0, v42;
	v0 =	vpsel !p0, $0x0, v1;
	v1 =	vld [tilespmem:$0x1FF50]  }
0x116: {  	v52 =	vadd.f32 v4, v52;
	v4 =	vld.idx.msk [tilespmem:v16+s9+$0x0], $0xffff;
	v47 =	vadd.f32 v2, v47;
	v6 =	vpsel !p0, $0x0, v6  }
0x117: {  	v2 =	vld.idx.msk [tilespmem:v23+s9+$0x0], $0xffff;
	v40 =	vadd.f32 v0, v40;
	v0 =	vpsel !p0, $0x0, v5;
	v5 =	vlaneseq.u32  }
0x118: {  	s16 =	sadd.s32 $0x40, s16;
	v46 =	vadd.f32 v6, v46;
	v6 =	vld.idx.msk [tilespmem:v20+s9+$0x0], $0xffff  }
0x119: {  	p2 =	slt.s32 s16, $0x3FC0;
	s19 =	smov.u32 s16;
	v45 =	vadd.f32 v3, v45;
	v3 =	vpsel !p0, $0x0, v7;
	v7 =	vld.idx.msk [tilespmem:v28+s9+$0x0], $0xffff  }
0x11a: {  	s19 =	simm.s32 @!p2 $0x3FC0;
	v44 =	vadd.f32 v3, v44;
	v3 =	vld.idx.msk [tilespmem:v27+s9+$0x0], $0xffff  }
0x11b: {  	s18 =	rddreg [dreg:$0x5];
	s20 =	sshll.u32 s19, $0x6;
	v8 =	vld.idx.msk [tilespmem:v8+s9+$0x0], $0xffff  }
0x11c: {  	s18 =	sadd.s32 s18, s20;
	v5 =	vld.idx.msk [tilespmem:v5+s9+$0x0], $0xffff  }
0x11d: {  	v2 =	vpsel !p0, $0x0, v2;
	v1 =	vld.idx.msk [tilespmem:v1+s9+$0x0], $0xffff;
	[tilespmem:s9], [sflag:$0x1] =	stream.linear.gather [hbm4b:s18+s3], $0x8000, $0x38  }
0x11e: {  	v38 =	vadd.f32 v2, v38;
	v37 =	vadd.f32 v0, v37;
	v0 =	vpsel !p0, $0x0, v7;
	_ =	swait.ge [sflag:s8], $0x8000  }
0x11f: {  	v2 =	vpsel !p0, $0x0, v3;
	v3 =	vpsel !p0, $0x0, v6;
	v41 =	vadd.f32 v0, v41;
	v0 =	vld [tilespmem:$0x1FF70]  }
0x120: {  	v35 =	vadd.f32 v3, v35;
	v3 =	vld [tilespmem:$0x1FFC0]  }
0x121: {  	v36 =	vadd.f32 v2, v36;
	v6 =	vld [tilespmem:$0x1FF80];
	v2 =	vpsel !p0, $0x0, v5  }
0x122: {  	v5 =	vpsel !p0, $0x0, v8;
	v39 =	vadd.f32 v2, v39;
	v2 =	vld [tilespmem:$0x1FF90]  }
0x123: {  	v4 =	vpsel !p0, $0x0, v4;
	v34 =	vadd.f32 v5, v34;
	v5 =	vld [tilespmem:$0x1FFB0]  }
0x124: {  	v43 =	vadd.f32 v4, v43;
	[sflag:s8] =	ssyncset.done $0x0;
	v4 =	vpsel !p0, $0x0, v1;
	v1 =	vld [tilespmem:$0x1FFA0]  }
0x125: {  	[sflag:s8] =	ssyncadd.s32 $0xFFFF8000  }
0x126: {  	v33 =	vadd.f32 v4, v33;
	v4 =	vld.idx.msk [tilespmem:v26+s9+$0x0], $0xffff  }
0x127: {  	p1 =	sne.s32 s17, $0x1;
	p5 =	slt.s32 s16, $0x3FC1;
	p3 =	slt.s32 s19, s15;
	v0 =	vld.idx.msk [tilespmem:v0+s9+$0x0], $0xffff  }
.Ltmp6:
0x128: {  	p2 =	por !p5, !p3;
	v3 =	vld.idx.msk [tilespmem:v3+s9+$0x0], $0xffff;
	(pc) =	sbr.rel @p1 .LBB2_5-.Ltmp6, $4  }
0x129: {  	p6 =	sge.s32 s19, s14;
	p2 =	por !p2, !p2;
	v6 =	vld.idx.msk [tilespmem:v6+s9+$0x0], $0xffff  }
0x12a: {  	p2 =	por !p2, !p6;
	v2 =	vld.idx.msk [tilespmem:v2+s9+$0x0], $0xffff  }
0x12b: {  	p0 =	por !p2, !p2;
	v5 =	vld.idx.msk [tilespmem:v5+s9+$0x0], $0xffff  }
0x12c: {  	s17 =	sadd.s32 $0xFFFFFFFF, s17;
	v8 =	vmovc v30;
	v30 =	vmov v31;
	v31 =	vmov v26;
	v1 =	vld.idx.msk [tilespmem:v1+s9+$0x0], $0xffff;
	v0 =	vpsel !p0, $0x0, v0  }
.LBB2_6:
0x12d: {  	_ =	sdelay $0x3  }
0x12e: {  	v26 =	vld.idx.msk [tilespmem:v29+s9+$0x0], $0xffff  }
0x12f: {  	v0 =	vadd.f32 v0, v32  }
0x130: {  	v7 =	vld.idx.msk [tilespmem:v30+s9+$0x0], $0xffff  }
0x131: {  	v9 =	vld.idx.msk [tilespmem:v9+s9+$0x0], $0xffff;
	[tilespmem:$0x1FEE0] =	vst v0;
	v0 =	vpsel !p0, $0x0, v3  }
0x132: {  	v8 =	vld.idx.msk [tilespmem:v8+s9+$0x0], $0xffff;
	v0 =	vadd.f32 v0, v62  }
0x133: {  	[tilespmem:$0x1FE40] =	vst v26;
	v26 =	vld.idx.msk [tilespmem:v11+s9+$0x0], $0xffff  }
0x134: {  	[tilespmem:$0x1FEF0] =	vst v0;
	v0 =	vpsel !p0, $0x0, v2;
	v2 =	vpsel !p0, $0x0, v4  }
0x135: {  	v2 =	vadd.f32 v2, v61  }
0x136: {  	v32 =	vld.idx.msk [tilespmem:v17+s9+$0x0], $0xffff;
	[tilespmem:$0x1FE80] =	vst v9  }
0x137: {  	v9 =	vld.idx.msk [tilespmem:v18+s9+$0x0], $0xffff;
	[tilespmem:$0x1FF00] =	vst v2;
	v2 =	vpsel !p0, $0x0, v5;
	v5 =	vpsel !p0, $0x0, v7  }
0x138: {  	v58 =	vadd.f32 v5, v58;
	v5 =	vpsel !p0, $0x0, v8;
	[tilespmem:$0x1FE50] =	vst v26;
	v26 =	vld.idx.msk [tilespmem:v14+s9+$0x0], $0xffff  }
0x139: {  	v56 =	vadd.f32 v5, v56;
	v5 =	vld [tilespmem:$0x1FE50]  }
0x13a: {  	v3 =	vld.idx.msk [tilespmem:v12+s9+$0x0], $0xffff;
	v4 =	vpsel !p0, $0x0, v6  }
0x13b: {  	v57 =	vadd.f32 v4, v57;
	v4 =	vld.idx.msk [tilespmem:v19+s9+$0x0], $0xffff  }
0x13c: {  	v8 =	vld [tilespmem:$0x1FE80]  }
0x13d: {  	[tilespmem:$0x1FE90] =	vst v9;
	v9 =	vld.idx.msk [tilespmem:v25+s9+$0x0], $0xffff  }
0x13e: {  	v1 =	vpsel !p0, $0x0, v1;
	[tilespmem:$0x1FE60] =	vst v26;
	v26 =	vld.idx.msk [tilespmem:v13+s9+$0x0], $0xffff;
	v5 =	vpsel !p0, $0x0, v5  }
0x13f: {  	v1 =	vadd.f32 v1, v63;
	v55 =	vadd.f32 v5, v55;
	v5 =	vld [tilespmem:$0x1FE60]  }
0x140: {  	v0 =	vadd.f32 v0, v60;
	v63 =	vld [tilespmem:$0x1FE40]  }
0x141: {  	[tilespmem:$0x1FEC0] =	vst v1;
	v1 =	vld.idx.msk [tilespmem:v21+s9+$0x0], $0xffff  }
0x142: {  	[tilespmem:$0x1FED0] =	vst v0;
	v0 =	vld.idx.msk [tilespmem:v24+s9+$0x0], $0xffff  }
0x143: {  	v8 =	vpsel !p0, $0x0, v8;
	[tilespmem:$0x1FEB0] =	vst v9;
	v9 =	vmov v10;
	v10 =	vld.idx.msk [tilespmem:v10+s9+$0x0], $0xffff  }
0x144: {  	v51 =	vadd.f32 v8, v51;
	v8 =	vld [tilespmem:$0x1FE90];
	[tilespmem:$0x1FE70] =	vst v26;
	v5 =	vpsel !p0, $0x0, v5  }
0x145: {  	v53 =	vadd.f32 v5, v53;
	v5 =	vld [tilespmem:$0x1FE70]  }
0x146: {  	v7 =	vld.idx.msk [tilespmem:v16+s9+$0x0], $0xffff  }
0x147: {  	v59 =	vadd.f32 v2, v59;
	v2 =	vld.idx.msk [tilespmem:v15+s9+$0x0], $0xffff  }
0x148: {  	v29 =	vld [tilespmem:$0x1FED0]  }
0x149: {  	v18 =	vmov v19;
	v19 =	vmov v25;
	v25 =	vld [tilespmem:$0x1FFF0]  }
0x14a: {  	v62 =	vmov v12;
	v12 =	vld [tilespmem:$0x1FEB0];
	[tilespmem:$0x1FEA0] =	vst v10;
	v8 =	vpsel !p0, $0x0, v8;
	v5 =	vpsel !p0, $0x0, v5  }
0x14b: {  	v6 =	vpsel !p0, $0x0, v63;
	v60 =	vadd.f32 v5, v50;
	v50 =	vadd.f32 v8, v52;
	v8 =	vld [tilespmem:$0x1FEA0]  }
0x14c: {  	v63 =	vmov v17;
	v17 =	vld.idx.msk [tilespmem:v28+s9+$0x0], $0xffff;
	v54 =	vadd.f32 v6, v54;
	v0 =	vpsel !p0, $0x0, v0  }
0x14d: {  	v6 =	vld.idx.msk [tilespmem:v22+s9+$0x0], $0xffff;
	v44 =	vadd.f32 v0, v44;
	v0 =	vpsel !p0, $0x0, v4;
	v4 =	vlaneseq.u32  }
0x14e: {  	v22 =	vld [tilespmem:$0x1FF90]  }
0x14f: {  	v1 =	vpsel !p0, $0x0, v1;
	v61 =	vpsel !p0, $0x0, v12;
	v12 =	vld [tilespmem:$0x1FF40]  }
0x150: {  	v47 =	vadd.f32 v1, v47;
	v1 =	vld.idx.msk [tilespmem:v20+s9+$0x0], $0xffff;
	v8 =	vpsel !p0, $0x0, v8  }
0x151: {  	v52 =	vadd.f32 v8, v48;
	v48 =	vadd.f32 v61, v49;
	v61 =	vld [tilespmem:$0x1FF50]  }
0x152: {  	v4 =	vld.idx.msk [tilespmem:v4+s9+$0x0], $0xffff  }
0x153: {  	v5 =	vld.idx.msk [tilespmem:v23+s9+$0x0], $0xffff  }
0x154: {  	v26 =	vmov v24;
	v24 =	vld [tilespmem:$0x1FF70]  }
0x155: {  	v3 =	vpsel !p0, $0x0, v3;
	v2 =	vpsel !p0, $0x0, v2;
	v23 =	vld [tilespmem:$0x1FF80]  }
0x156: {  	v8 =	vld.idx.msk [tilespmem:v27+s9+$0x0], $0xffff;
	v49 =	vadd.f32 v3, v45;
	v45 =	vadd.f32 v2, v46;
	v2 =	vpsel !p0, $0x0, v6  }
0x157: {  	v42 =	vadd.f32 v0, v42;
	v0 =	vpsel !p0, $0x0, v7;
	v6 =	vld.idx.msk [tilespmem:v12+s9+$0x0], $0xffff;
	v46 =	vadd.f32 v2, v40  }
0x158: {  	v40 =	vadd.f32 v0, v43;
	v0 =	vpsel !p0, $0x0, v32;
	v2 =	vpsel !p0, $0x0, v5;
	v43 =	vld [tilespmem:$0x1FFE0]  }
0x159: {  	v0 =	vadd.f32 v0, v37;
	v37 =	vadd.f32 v2, v38;
	v2 =	vpsel !p0, $0x0, v17;
	v3 =	vld.idx.msk [tilespmem:v61+s9+$0x0], $0xffff  }
0x15a: {  	v1 =	vpsel !p0, $0x0, v1;
	v17 =	vmov v28;
	v28 =	vld [tilespmem:$0x1FEE0];
	v38 =	vadd.f32 v2, v41  }
.Ltmp7:
0x15b: {  	v2 =	vadd.f32 v1, v35;
	v1 =	vpsel !p0, $0x0, v4;
	v41 =	vmovc v18;
	v18 =	vld [tilespmem:$0x1FFD0];
	v5 =	vpsel !p0, $0x0, v8;
	(pc) =	sbr.rel .LBB2_7-.Ltmp7, $4  }
0x15c: {  	v32 =	vadd.f32 v1, v39;
	v39 =	vld [tilespmem:$0x1FFA0]  }
0x15d: {  	v35 =	vadd.f32 v5, v36;
	v36 =	vld [tilespmem:$0x1FFC0]  }
0x15e: {  	v5 =	vmovc v12;
	v12 =	vmov v62;
	v62 =	vld [tilespmem:$0x1FEC0];
	v1 =	vpsel !p0, $0x0, v3;
	v3 =	vpsel !p0, $0x0, v6  }
0x15f: {  	v10 =	vmovc v9;
	v9 =	vmovc v5;
	v1 =	vadd.f32 v1, v33;
	v3 =	vadd.f32 v3, v34;
	v34 =	vmov v21;
	v21 =	vld [tilespmem:$0x1FFB0]  }
.LBB2_9:
0x160: {  	_ =	sfence.sel $0x180000  }
0x161: {  	[bflag:$0x0] =	sbarrier.arrive $0xFFFF  }
0x162: {  	p0 =	sne.s32 s2, $0x0;
	_ =	strace $0x90000047  }
0x163: {  	s0 =	sadd.s32 @!p0 $0x100000, s1;
	[bflag:$0x2] =	sbarrier.arrive $0xFFFF  }
0x164: {  	[sflag:s0] =	ssyncadd.tile.s32 @!p0 $0x1;
	_ =	shalt  }
.Lfunc_end2:
_tile_overlayer_lowered:
.L_overlay_start_2:
0x165: {  	(tag) =	ssettag $0x2  }
0x166: {  	s0 =	rddreg [dreg:$0x0];
	s2 =	stileid.u32  }
0x167: {  	s1 =	rddreg [dreg:$0x1];
	p0 =	sne.s32 s2, $0x0  }
0x168: {  	s3 =	rddreg [dreg:$0x2];
	[bflag:$0x3] =	sbarrier.arrive $0xFFFF;
	s2 =	simm.s32 @!p0 $0x1C01  }
0x169: {  	[timem:s3], [sflag:s2] =	dma.local @!p0 [hbm:s0], s1  }
0x16a: {  	s0 =	simm.s32 @!p0 $0x1  }
0x16b: {  	_ =	swait.ge @!p0 [sflag:s0], s1  }
0x16c: {  	s1 =	ssub.s32 @!p0 $0x0, s1;
	[sflag:s0] =	ssyncset.done @!p0 $0x0  }
0x16d: {  	[sflag:s0] =	ssyncadd.s32 @!p0 s1  }
0x16e: {  	[bflag:$0x3] =	sbarrier.arrive $0xFFFF  }
0x16f: {  	_ =	shalt  }

</sc_bundles>
